<compile_context>
chip_gen: v7x
topology: tpu7x:2x2x1
jax: 0.10.2.dev20260603
libtpu: 0.0.44.dev20260713+nightly
codegen_flags: <defaults>
</compile_context>

<pallas_src>
import functools

import jax
import jax.numpy as jnp
from jax import lax
from jax.experimental import pallas as pl
from jax.experimental.pallas import tpu as pltpu
from jax.experimental.pallas import tpu_sc as plsc

_B, _H, _N, _TOPK = 128, 2048, 32768, 64
_Hh = _H // 2
_BN = 2048
_RB = 8


def _hg_kernel(z_ref, w1_ref, b1_ref, gamma_ref, beta_ref, out_ref):
    h = jax.lax.dot_general(z_ref[...], w1_ref[...], (((1,), (1,)), ((), ())),
                            preferred_element_type=jnp.float32)
    h = h + b1_ref[...]
    mu = jnp.mean(h, axis=-1, keepdims=True)
    var = jnp.mean((h - mu) ** 2, axis=-1, keepdims=True)
    hn = (h - mu) / jnp.sqrt(var + 1e-5) * gamma_ref[...] + beta_ref[...]
    out_ref[...] = 0.5 * hn * (1.0 + jax.lax.erf(hn * (1.0 / jnp.sqrt(jnp.float32(2.0)))))


def _scores_kernel(hg_ref, w2_ref, b2_ref, comp_ref, ema_ref, out_ref, keys_ref):
    s = jax.lax.dot_general(hg_ref[...], w2_ref[...], (((1,), (1,)), ((), ())),
                            preferred_element_type=jnp.float32)
    bias = b2_ref[...] + comp_ref[...] * 0.3 + (1.0 / (ema_ref[...] + 1e-6)) * 0.1
    sv = s + bias
    out_ref[...] = sv
    keys_ref[...] = _key(sv)


def _key(x):
    b = jax.lax.bitcast_convert_type(x, jnp.int32)
    return jnp.where(b < 0, b ^ jnp.int32(0x7FFFFFFF), b)


def _ceil_avg(lo, hi):
    return (lo >> 1) + (hi >> 1) + (lo & hi & 1) + ((lo ^ hi) & 1)


def _thresh_kernel(k_ref, p_ref):
    kk = k_ref[...]
    kf = jnp.float32(_TOPK)

    cmk = kk[:, 0:128]
    for j in range(1, _N // 128):
        cmk = jnp.maximum(cmk, kk[:, 128 * j:128 * (j + 1)])
    chi0 = jnp.max(cmk, axis=1, keepdims=True)
    clo = jnp.min(cmk, axis=1, keepdims=True)

    def cbody(t, carry):
        lo, hi = carry
        mid = _ceil_avg(lo, hi)
        cnt = jnp.sum(jnp.where(cmk >= mid, 1.0, 0.0), axis=1, keepdims=True)
        ok = cnt >= kf
        return jnp.where(ok, mid, lo), jnp.where(ok, hi, mid - 1)

    clo, chi = jax.lax.fori_loop(0, 32, cbody, (clo, chi0))

    def wcond(carry):
        lo, hi = carry
        return jnp.any(lo < hi)

    def wbody(carry):
        lo, hi = carry
        mid = _ceil_avg(lo, hi)
        cnt = jnp.sum(jnp.where(k_ref[...] >= mid, 1.0, 0.0), axis=1, keepdims=True)
        ok = cnt >= kf
        return jnp.where(ok, mid, lo), jnp.where(ok, hi, mid - 1)

    lo, hi = jax.lax.while_loop(wcond, wbody, (clo, chi0))
    thr = lo

    cnt_ge = jnp.sum(jnp.where(kk >= thr, 1.0, 0.0), axis=1, keepdims=True)
    anyties = jnp.any(cnt_ge > kf)
    lane = jax.lax.broadcasted_iota(jnp.int32, (_RB, 128), 1)

    @pl.when(jnp.logical_not(anyties))
    def _():
        p_ref[...] = jnp.where(lane == 0, thr,
                               jnp.where(lane == 1, _N - 1, 0))

    @pl.when(anyties)
    def _():
        iota = jax.lax.broadcasted_iota(jnp.int32, (_RB, _N), 1)
        cnt_gt = jnp.sum(jnp.where(kk > thr, 1.0, 0.0), axis=1, keepdims=True)
        need_eq = kf - cnt_gt
        eq = kk == thr

        ilo = jnp.zeros((_RB, 1), jnp.int32)
        ihi = jnp.full((_RB, 1), _N - 1, jnp.int32)

        def ibody(t, carry):
            ilo, ihi = carry
            mid = (ilo + ihi) >> 1
            cnt = jnp.sum(jnp.where(eq & (iota <= mid), 1.0, 0.0), axis=1,
                          keepdims=True)
            ok = cnt >= need_eq
            return jnp.where(ok, ilo, mid + 1), jnp.where(ok, mid, ihi)

        ilo, ihi = jax.lax.fori_loop(0, 15, ibody, (ilo, ihi))
        p_ref[...] = jnp.where(lane == 0, thr,
                               jnp.where(lane == 1, ilo, 0))


_NC = 2
_NS = 16
_NW = _NC * _NS
_RPW = _B // _NW
_NV = _N // 16


def _sc_mask_body(bits_hbm, params_hbm, mask_hbm, row_i, row_f, p_v):
    wid = lax.axis_index("s") * _NC + lax.axis_index("c")
    iota = lax.broadcasted_iota(jnp.int32, (16,), 0)

    def row_body(rr, carry):
        r = wid * _RPW + rr
        pltpu.sync_copy(bits_hbm.at[r], row_i)
        pltpu.sync_copy(params_hbm.at[r], p_v)
        pv = p_v[pl.ds(0, 16)]
        thr = pv[0]
        tie_hi = pv[1]

        def mk(j, c):
            k = row_i[pl.ds(j * 16, 16)]
            idxv = j * 16 + iota
            m = (k > thr) | ((k == thr) & (idxv <= tie_hi))
            row_f[pl.ds(j * 16, 16)] = jnp.where(m, jnp.float32(1.0),
                                                 jnp.float32(0.0))
            return c

        lax.fori_loop(0, _NV, mk, 0, unroll=8)
        pltpu.sync_copy(row_f, mask_hbm.at[r])
        return carry

    lax.fori_loop(0, _RPW, row_body, 0)


@functools.partial(
    pl.kernel,
    mesh=plsc.VectorSubcoreMesh(core_axis_name="c", subcore_axis_name="s"),
    out_type=jax.ShapeDtypeStruct((_B, _N), jnp.float32),
    scratch_types=[
        pltpu.VMEM((_N,), jnp.int32),
        pltpu.VMEM((_N,), jnp.float32),
        pltpu.VMEM((128,), jnp.int32),
    ],
)
def _sc_mask(bits_hbm, params_hbm, mask_hbm, row_i, row_f, p_v):
    _sc_mask_body(bits_hbm, params_hbm, mask_hbm, row_i, row_f, p_v)


def _order_kernel(s_ref, idx_ref, cur):
    cur[...] = s_ref[...]
    nrow = _N // 128
    si = jax.lax.broadcasted_iota(jnp.int32, (nrow, 1), 0)
    li = jax.lax.broadcasted_iota(jnp.int32, (1, 128), 1)
    kiota = jax.lax.broadcasted_iota(jnp.int32, (8, _TOPK), 1)
    neg_inf = jnp.float32(-jnp.inf)
    idx_ref[...] = jnp.zeros((8, _TOPK), jnp.int32)
    cm0 = jnp.max(cur[...], axis=1, keepdims=True)

    def body(t, cm):
        m = jnp.max(cm)
        ci = jnp.min(jnp.where(cm == m, si, nrow))
        row = cur[pl.ds(ci, 1), :]
        lane = jnp.min(jnp.where(row == m, li, 128))
        sel = ci * 128 + lane
        idx_ref[...] = jnp.where(kiota == t, sel, idx_ref[...])
        rn = jnp.where(li == lane, neg_inf, row)
        cur[pl.ds(ci, 1), :] = rn
        return jnp.where(si == ci, jnp.max(rn), cm)

    jax.lax.fori_loop(0, _TOPK, body, cm0)


def kernel(z, W1, b1, gamma, beta, W2, b2, competence, activation_ema):
    b1r = b1.reshape(1, _Hh)
    gammar = gamma.reshape(1, _Hh)
    betar = beta.reshape(1, _Hh)
    b2r = b2.reshape(1, _N)
    compr = competence.reshape(1, _N)
    emar = activation_ema.reshape(1, _N)

    hg = pl.pallas_call(
        _hg_kernel,
        out_shape=jax.ShapeDtypeStruct((_B, _Hh), jnp.float32),
    )(z, W1, b1r, gammar, betar)

    grid_n = _N // _BN
    final_scores, score_keys = pl.pallas_call(
        _scores_kernel,
        grid=(grid_n,),
        in_specs=[
            pl.BlockSpec((_B, _Hh), lambda i: (0, 0)),
            pl.BlockSpec((_BN, _Hh), lambda i: (i, 0)),
            pl.BlockSpec((1, _BN), lambda i: (0, i)),
            pl.BlockSpec((1, _BN), lambda i: (0, i)),
            pl.BlockSpec((1, _BN), lambda i: (0, i)),
        ],
        out_specs=[
            pl.BlockSpec((_B, _BN), lambda i: (0, i)),
            pl.BlockSpec((_B, _BN), lambda i: (0, i)),
        ],
        out_shape=[
            jax.ShapeDtypeStruct((_B, _N), jnp.float32),
            jax.ShapeDtypeStruct((_B, _N), jnp.int32),
        ],
    )(hg, W2, b2r, compr, emar)

    grid_b = _B // _RB
    params = pl.pallas_call(
        _thresh_kernel,
        grid=(grid_b,),
        in_specs=[pl.BlockSpec((_RB, _N), lambda i: (i, 0))],
        out_specs=pl.BlockSpec((_RB, 128), lambda i: (i, 0)),
        out_shape=jax.ShapeDtypeStruct((_B, 128), jnp.int32),
    )(score_keys)

    mask = _sc_mask(score_keys, params)

    row0 = final_scores[0].reshape(_N // 128, 128)
    top_idx = pl.pallas_call(
        _order_kernel,
        out_shape=jax.ShapeDtypeStruct((8, _TOPK), jnp.int32),
        scratch_shapes=[pltpu.VMEM((_N // 128, 128), jnp.float32)],
    )(row0)

    selected_indices = top_idx[0]
    return (mask, selected_indices, final_scores)

# --- scband reference (transcript-rebuilt; emitter-appended) ---
"""Pipeline reference for scband-ia3-router-15874199126030 (READ-ONLY COPY).

The authoritative reference and input builder live on the scoring server;
editing this copy changes nothing except your own understanding.
"""

import jax, jax.numpy as jnp
import numpy as np

B, H, N, TOPK = 128, 2048, 32768, 64
TEMP = 1.0
DIVERSITY_WEIGHT = 0.1


def setup_inputs(seed: int = 0) -> dict:
    key = jax.random.key(seed)
    ks = jax.random.split(key, 8)
    Hh = H // 2
    z = jax.random.normal(ks[0], (B, H), dtype=jnp.float32)
    W1 = jax.random.normal(ks[1], (Hh, H), dtype=jnp.float32) * (1.0 / np.sqrt(H))
    b1 = jnp.zeros((Hh,), dtype=jnp.float32)
    gamma = jnp.ones((Hh,), dtype=jnp.float32)
    beta = jnp.zeros((Hh,), dtype=jnp.float32)
    W2 = jax.random.normal(ks[2], (N, Hh), dtype=jnp.float32) * (1.0 / np.sqrt(Hh))
    b2 = jnp.zeros((N,), dtype=jnp.float32)
    competence = jnp.ones((N,), dtype=jnp.float32)
    # buffer: emulate a router that has already seen some activations (avoids degenerate 1e6 novelty)
    activation_ema = jax.random.uniform(ks[3], (N,), dtype=jnp.float32, minval=0.0, maxval=5.0)
    return {"z": z, "W1": W1, "b1": b1, "gamma": gamma, "beta": beta,
            "W2": W2, "b2": b2, "competence": competence, "activation_ema": activation_ema}


def reference(z, W1, b1, gamma, beta, W2, b2, competence, activation_ema):
    # scorer: Linear(H, H//2) -> LayerNorm -> GELU(exact) -> Linear(H//2, N)
    h = z @ W1.T + b1
    mu = jnp.mean(h, axis=-1, keepdims=True)
    var = jnp.var(h, axis=-1, keepdims=True)
    hn = (h - mu) / jnp.sqrt(var + 1e-5) * gamma + beta
    hg = jax.nn.gelu(hn, approximate=False)
    context_scores = hg @ W2.T + b2
    comp_scores = jnp.broadcast_to(competence[None, :], (z.shape[0], competence.shape[0]))
    novelty = 1.0 / (activation_ema + 1e-6)
    novelty_scores = jnp.broadcast_to(novelty[None, :], comp_scores.shape)
    final_scores = context_scores + comp_scores * 0.3 + novelty_scores * DIVERSITY_WEIGHT
    final_scores = final_scores / TEMP
    _, top_indices = jax.lax.top_k(final_scores, TOPK)
    Bb, Nn = final_scores.shape
    mask = jnp.zeros((Bb, Nn), dtype=jnp.float32)
    mask = mask.at[jnp.arange(Bb)[:, None], top_indices].set(1.0)
    # EMA buffer update (side effect in torch; returned here for completeness is skipped)
    selected_indices = top_indices[0]
    return (mask, selected_indices, final_scores)

if __name__ == "__main__":
    import jax
    _d = setup_inputs()
    print(jax.jit(kernel)(*tuple(_d.values())))

</pallas_src>

<mosaic_0001>
#map = affine_map<(d0, d1) -> (0, 0)>
module attributes {stable_mosaic.version = 14 : i64} {
  func.func @_sc_mask(%arg0: i32, %arg1: i32, %arg2: memref<128x32768xi32, #tpu.memory_space<hbm>>, %arg3: memref<128x128xi32, #tpu.memory_space<hbm>>, %arg4: memref<128x32768xf32, #tpu.memory_space<hbm>>, %arg5: memref<32768xi32, #tpu.memory_space<vmem>>, %arg6: memref<32768xf32, #tpu.memory_space<vmem>>, %arg7: memref<128xi32, #tpu.memory_space<vmem>>) attributes {dimension_semantics = [#tpu.dimension_semantics<core_parallel>, #tpu.dimension_semantics<subcore_parallel>], iteration_bounds = array<i64: 2, 16>, scalar_prefetch = 0 : i64, scratch_operands = 3 : i64, tpu.core_type = #tpu.core_type<sc_vector_subcore>, window_params = [{transform_indices = #map}, {transform_indices = #map}, {transform_indices = #map}]} {
    %mul3A = arith.constant 2 : i32
    %mul3A_0 = arith.muli %arg1, %mul3A : i32
    %add3A = arith.addi %mul3A_0, %arg0 : i32
    %iota3A = tpu.iota {dimensions = array<i32: 0>} : vector<16xi32>
    %scan3A = arith.constant 0 : i32
    %scan3A_1 = arith.constant 0 : i32
    %scan3A_2 = arith.constant 4 : i32
    %scan3A_3 = arith.addi %scan3A_1, %scan3A_2 : i32
    %scan3A_4 = arith.constant 1 : i32
    scf.for %scan3A_6 = %scan3A_1 to %scan3A_3 step %scan3A_4  : i32 {
      %mul3A_7 = arith.constant 4 : i32
      %mul3A_8 = arith.muli %add3A, %mul3A_7 : i32
      %add3A_9 = arith.addi %mul3A_8, %scan3A_6 : i32
      "tpu.region"() ({
        %run_scoped3A = tpu.sem_alloc : memref<!tpu.dma_semaphore, #tpu.memory_space<semaphore_mem>>
        %dma_start3A = arith.constant 0 : i32
        %dma_start3A_20 = tpu.memref_slice %arg2[%add3A_9, %dma_start3A] : memref<128x32768xi32, #tpu.memory_space<hbm>> -> memref<1x32768xi32, #tpu.memory_space<hbm>>
        %dma_start3A_21 = tpu.memref_squeeze %dma_start3A_20 : memref<1x32768xi32, #tpu.memory_space<hbm>> -> memref<32768xi32, #tpu.memory_space<hbm>>
        %dma_start3A_22 = arith.constant 0 : i32
        %dma_start3A_23 = tpu.memref_slice %arg2[%add3A_9, %dma_start3A_22] : memref<128x32768xi32, #tpu.memory_space<hbm>> -> memref<1x32768xi32, #tpu.memory_space<hbm>>
        %dma_start3A_24 = tpu.memref_squeeze %dma_start3A_23 : memref<1x32768xi32, #tpu.memory_space<hbm>> -> memref<32768xi32, #tpu.memory_space<hbm>>
        tpu.enqueue_dma source(%dma_start3A_24 : memref<32768xi32, #tpu.memory_space<hbm>>) target(%arg5 : memref<32768xi32, #tpu.memory_space<vmem>>) target_semaphore(%run_scoped3A : memref<!tpu.dma_semaphore, #tpu.memory_space<semaphore_mem>>)
        %dma_wait3A = arith.constant 0 : i32
        %dma_wait3A_25 = tpu.memref_slice %arg2[%add3A_9, %dma_wait3A] : memref<128x32768xi32, #tpu.memory_space<hbm>> -> memref<1x32768xi32, #tpu.memory_space<hbm>>
        %dma_wait3A_26 = tpu.memref_squeeze %dma_wait3A_25 : memref<1x32768xi32, #tpu.memory_space<hbm>> -> memref<32768xi32, #tpu.memory_space<hbm>>
        %dma_wait3A_27 = arith.constant 0 : i32
        %dma_wait3A_28 = tpu.memref_slice %arg2[%add3A_9, %dma_wait3A_27] : memref<128x32768xi32, #tpu.memory_space<hbm>> -> memref<1x32768xi32, #tpu.memory_space<hbm>>
        %dma_wait3A_29 = tpu.memref_squeeze %dma_wait3A_28 : memref<1x32768xi32, #tpu.memory_space<hbm>> -> memref<32768xi32, #tpu.memory_space<hbm>>
        tpu.wait_dma2 semaphore(%run_scoped3A : memref<!tpu.dma_semaphore, #tpu.memory_space<semaphore_mem>>) src(%dma_wait3A_29 : memref<32768xi32, #tpu.memory_space<hbm>>) dst(%arg5 : memref<32768xi32, #tpu.memory_space<vmem>>)
        tpu.yield
      }) : () -> ()
      "tpu.region"() ({
        %run_scoped3A = tpu.sem_alloc : memref<!tpu.dma_semaphore, #tpu.memory_space<semaphore_mem>>
        %dma_start3A = arith.constant 0 : i32
        %dma_start3A_20 = tpu.memref_slice %arg3[%add3A_9, %dma_start3A] : memref<128x128xi32, #tpu.memory_space<hbm>> -> memref<1x128xi32, #tpu.memory_space<hbm>>
        %dma_start3A_21 = tpu.memref_squeeze %dma_start3A_20 : memref<1x128xi32, #tpu.memory_space<hbm>> -> memref<128xi32, #tpu.memory_space<hbm>>
        %dma_start3A_22 = arith.constant 0 : i32
        %dma_start3A_23 = tpu.memref_slice %arg3[%add3A_9, %dma_start3A_22] : memref<128x128xi32, #tpu.memory_space<hbm>> -> memref<1x128xi32, #tpu.memory_space<hbm>>
        %dma_start3A_24 = tpu.memref_squeeze %dma_start3A_23 : memref<1x128xi32, #tpu.memory_space<hbm>> -> memref<128xi32, #tpu.memory_space<hbm>>
        tpu.enqueue_dma source(%dma_start3A_24 : memref<128xi32, #tpu.memory_space<hbm>>) target(%arg7 : memref<128xi32, #tpu.memory_space<vmem>>) target_semaphore(%run_scoped3A : memref<!tpu.dma_semaphore, #tpu.memory_space<semaphore_mem>>)
        %dma_wait3A = arith.constant 0 : i32
        %dma_wait3A_25 = tpu.memref_slice %arg3[%add3A_9, %dma_wait3A] : memref<128x128xi32, #tpu.memory_space<hbm>> -> memref<1x128xi32, #tpu.memory_space<hbm>>
        %dma_wait3A_26 = tpu.memref_squeeze %dma_wait3A_25 : memref<1x128xi32, #tpu.memory_space<hbm>> -> memref<128xi32, #tpu.memory_space<hbm>>
        %dma_wait3A_27 = arith.constant 0 : i32
        %dma_wait3A_28 = tpu.memref_slice %arg3[%add3A_9, %dma_wait3A_27] : memref<128x128xi32, #tpu.memory_space<hbm>> -> memref<1x128xi32, #tpu.memory_space<hbm>>
        %dma_wait3A_29 = tpu.memref_squeeze %dma_wait3A_28 : memref<1x128xi32, #tpu.memory_space<hbm>> -> memref<128xi32, #tpu.memory_space<hbm>>
        tpu.wait_dma2 semaphore(%run_scoped3A : memref<!tpu.dma_semaphore, #tpu.memory_space<semaphore_mem>>) src(%dma_wait3A_29 : memref<128xi32, #tpu.memory_space<hbm>>) dst(%arg7 : memref<128xi32, #tpu.memory_space<vmem>>)
        tpu.yield
      }) : () -> ()
      %get3A = arith.constant 0 : index
      %get3A_10 = tpu.vector_load %arg7[%get3A] {strides = array<i32>} : memref<128xi32, #tpu.memory_space<vmem>>, vector<16xi32>,
      %get3A_11 = vector.shape_cast %get3A_10 : vector<16xi32> to vector<16xi32>
      %slice3A = vector.extract_strided_slice %get3A_11 {offsets = [0], sizes = [1], strides = [1]} : vector<16xi32> to vector<1xi32>
      %squeeze3A = vector.extract %slice3A[0] : i32 from vector<1xi32>
      %slice3A_12 = vector.extract_strided_slice %get3A_11 {offsets = [1], sizes = [1], strides = [1]} : vector<16xi32> to vector<1xi32>
      %squeeze3A_13 = vector.extract %slice3A_12[0] : i32 from vector<1xi32>
      %scan3A_14 = arith.constant 0 : i32
      %scan3A_15 = arith.constant 0 : i32
      %scan3A_16 = arith.constant 2048 : i32
      %scan3A_17 = arith.addi %scan3A_15, %scan3A_16 : i32
      %scan3A_18 = arith.constant 8 : i32
      scf.for %scan3A_20 = %scan3A_15 to %scan3A_17 step %scan3A_18  : i32 {
        %mul3A_21 = arith.constant 16 : i32
        %mul3A_22 = arith.muli %scan3A_20, %mul3A_21 : i32
        %get3A_23 = arith.index_cast %mul3A_22 : i32 to index
        %get3A_24 = tpu.vector_load %arg5[%get3A_23] {strides = array<i32>} : memref<32768xi32, #tpu.memory_space<vmem>>, vector<16xi32>,
        %get3A_25 = vector.shape_cast %get3A_24 : vector<16xi32> to vector<16xi32>
        %mul3A_26 = arith.constant 16 : i32
        %mul3A_27 = arith.muli %scan3A_20, %mul3A_26 : i32
        %add3A_28 = vector.broadcast %mul3A_27 : i32 to vector<16xi32>
        %add3A_29 = arith.addi %add3A_28, %iota3A : vector<16xi32>
        %gt3A = vector.broadcast %squeeze3A : i32 to vector<16xi32>
        %gt3A_30 = arith.cmpi sgt, %get3A_25, %gt3A : vector<16xi32>
        %eq3A = vector.broadcast %squeeze3A : i32 to vector<16xi32>
        %eq3A_31 = arith.cmpi eq, %get3A_25, %eq3A : vector<16xi32>
        %le3A = vector.broadcast %squeeze3A_13 : i32 to vector<16xi32>
        %le3A_32 = arith.cmpi sle, %add3A_29, %le3A : vector<16xi32>
        %and3A = arith.andi %eq3A_31, %le3A_32 : vector<16xi1>
        %or3A = arith.ori %gt3A_30, %and3A : vector<16xi1>
        %jit3A = arith.constant 1.000000e+00 : f32
        %jit3A_33 = arith.constant 0.000000e+00 : f32
        %broadcast_in_dim3A = vector.broadcast %jit3A : f32 to vector<16xf32>
        %broadcast_in_dim3A_34 = vector.broadcast %jit3A_33 : f32 to vector<16xf32>
        %select_n3A = arith.select %or3A, %broadcast_in_dim3A, %broadcast_in_dim3A_34 : vector<16xi1>, vector<16xf32>
        %mul3A_35 = arith.constant 16 : i32
        %mul3A_36 = arith.muli %scan3A_20, %mul3A_35 : i32
        %swap3A = arith.index_cast %mul3A_36 : i32 to index
        %swap3A_37 = tpu.vector_load %arg6[%swap3A] {strides = array<i32>} : memref<32768xf32, #tpu.memory_space<vmem>>, vector<16xf32>,
        %swap3A_38 = vector.shape_cast %swap3A_37 : vector<16xf32> to vector<16xf32>
        %swap3A_39 = vector.shape_cast %select_n3A : vector<16xf32> to vector<16xf32>
        tpu.vector_store %arg6[%swap3A], %swap3A_39 {strides = array<i32>} : memref<32768xf32, #tpu.memory_space<vmem>>, vector<16xf32>,
        %scan3A_40 = arith.constant 1 : i32
        %scan3A_41 = arith.addi %scan3A_20, %scan3A_40 : i32
        %mul3A_42 = arith.constant 16 : i32
        %mul3A_43 = arith.muli %scan3A_41, %mul3A_42 : i32
        %get3A_44 = arith.index_cast %mul3A_43 : i32 to index
        %get3A_45 = tpu.vector_load %arg5[%get3A_44] {strides = array<i32>} : memref<32768xi32, #tpu.memory_space<vmem>>, vector<16xi32>,
        %get3A_46 = vector.shape_cast %get3A_45 : vector<16xi32> to vector<16xi32>
        %mul3A_47 = arith.constant 16 : i32
        %mul3A_48 = arith.muli %scan3A_41, %mul3A_47 : i32
        %add3A_49 = vector.broadcast %mul3A_48 : i32 to vector<16xi32>
        %add3A_50 = arith.addi %add3A_49, %iota3A : vector<16xi32>
        %gt3A_51 = vector.broadcast %squeeze3A : i32 to vector<16xi32>
        %gt3A_52 = arith.cmpi sgt, %get3A_46, %gt3A_51 : vector<16xi32>
        %eq3A_53 = vector.broadcast %squeeze3A : i32 to vector<16xi32>
        %eq3A_54 = arith.cmpi eq, %get3A_46, %eq3A_53 : vector<16xi32>
        %le3A_55 = vector.broadcast %squeeze3A_13 : i32 to vector<16xi32>
        %le3A_56 = arith.cmpi sle, %add3A_50, %le3A_55 : vector<16xi32>
        %and3A_57 = arith.andi %eq3A_54, %le3A_56 : vector<16xi1>
        %or3A_58 = arith.ori %gt3A_52, %and3A_57 : vector<16xi1>
        %jit3A_59 = arith.constant 1.000000e+00 : f32
        %jit3A_60 = arith.constant 0.000000e+00 : f32
        %broadcast_in_dim3A_61 = vector.broadcast %jit3A_59 : f32 to vector<16xf32>
        %broadcast_in_dim3A_62 = vector.broadcast %jit3A_60 : f32 to vector<16xf32>
        %select_n3A_63 = arith.select %or3A_58, %broadcast_in_dim3A_61, %broadcast_in_dim3A_62 : vector<16xi1>, vector<16xf32>
        %mul3A_64 = arith.constant 16 : i32
        %mul3A_65 = arith.muli %scan3A_41, %mul3A_64 : i32
        %swap3A_66 = arith.index_cast %mul3A_65 : i32 to index
        %swap3A_67 = tpu.vector_load %arg6[%swap3A_66] {strides = array<i32>} : memref<32768xf32, #tpu.memory_space<vmem>>, vector<16xf32>,
        %swap3A_68 = vector.shape_cast %swap3A_67 : vector<16xf32> to vector<16xf32>
        %swap3A_69 = vector.shape_cast %select_n3A_63 : vector<16xf32> to vector<16xf32>
        tpu.vector_store %arg6[%swap3A_66], %swap3A_69 {strides = array<i32>} : memref<32768xf32, #tpu.memory_space<vmem>>, vector<16xf32>,
        %scan3A_70 = arith.constant 2 : i32
        %scan3A_71 = arith.addi %scan3A_20, %scan3A_70 : i32
        %mul3A_72 = arith.constant 16 : i32
        %mul3A_73 = arith.muli %scan3A_71, %mul3A_72 : i32
        %get3A_74 = arith.index_cast %mul3A_73 : i32 to index
        %get3A_75 = tpu.vector_load %arg5[%get3A_74] {strides = array<i32>} : memref<32768xi32, #tpu.memory_space<vmem>>, vector<16xi32>,
        %get3A_76 = vector.shape_cast %get3A_75 : vector<16xi32> to vector<16xi32>
        %mul3A_77 = arith.constant 16 : i32
        %mul3A_78 = arith.muli %scan3A_71, %mul3A_77 : i32
        %add3A_79 = vector.broadcast %mul3A_78 : i32 to vector<16xi32>
        %add3A_80 = arith.addi %add3A_79, %iota3A : vector<16xi32>
        %gt3A_81 = vector.broadcast %squeeze3A : i32 to vector<16xi32>
        %gt3A_82 = arith.cmpi sgt, %get3A_76, %gt3A_81 : vector<16xi32>
        %eq3A_83 = vector.broadcast %squeeze3A : i32 to vector<16xi32>
        %eq3A_84 = arith.cmpi eq, %get3A_76, %eq3A_83 : vector<16xi32>
        %le3A_85 = vector.broadcast %squeeze3A_13 : i32 to vector<16xi32>
        %le3A_86 = arith.cmpi sle, %add3A_80, %le3A_85 : vector<16xi32>
        %and3A_87 = arith.andi %eq3A_84, %le3A_86 : vector<16xi1>
        %or3A_88 = arith.ori %gt3A_82, %and3A_87 : vector<16xi1>
        %jit3A_89 = arith.constant 1.000000e+00 : f32
        %jit3A_90 = arith.constant 0.000000e+00 : f32
        %broadcast_in_dim3A_91 = vector.broadcast %jit3A_89 : f32 to vector<16xf32>
        %broadcast_in_dim3A_92 = vector.broadcast %jit3A_90 : f32 to vector<16xf32>
        %select_n3A_93 = arith.select %or3A_88, %broadcast_in_dim3A_91, %broadcast_in_dim3A_92 : vector<16xi1>, vector<16xf32>
        %mul3A_94 = arith.constant 16 : i32
        %mul3A_95 = arith.muli %scan3A_71, %mul3A_94 : i32
        %swap3A_96 = arith.index_cast %mul3A_95 : i32 to index
        %swap3A_97 = tpu.vector_load %arg6[%swap3A_96] {strides = array<i32>} : memref<32768xf32, #tpu.memory_space<vmem>>, vector<16xf32>,
        %swap3A_98 = vector.shape_cast %swap3A_97 : vector<16xf32> to vector<16xf32>
        %swap3A_99 = vector.shape_cast %select_n3A_93 : vector<16xf32> to vector<16xf32>
        tpu.vector_store %arg6[%swap3A_96], %swap3A_99 {strides = array<i32>} : memref<32768xf32, #tpu.memory_space<vmem>>, vector<16xf32>,
        %scan3A_100 = arith.constant 3 : i32
        %scan3A_101 = arith.addi %scan3A_20, %scan3A_100 : i32
        %mul3A_102 = arith.constant 16 : i32
        %mul3A_103 = arith.muli %scan3A_101, %mul3A_102 : i32
        %get3A_104 = arith.index_cast %mul3A_103 : i32 to index
        %get3A_105 = tpu.vector_load %arg5[%get3A_104] {strides = array<i32>} : memref<32768xi32, #tpu.memory_space<vmem>>, vector<16xi32>,
        %get3A_106 = vector.shape_cast %get3A_105 : vector<16xi32> to vector<16xi32>
        %mul3A_107 = arith.constant 16 : i32
        %mul3A_108 = arith.muli %scan3A_101, %mul3A_107 : i32
        %add3A_109 = vector.broadcast %mul3A_108 : i32 to vector<16xi32>
        %add3A_110 = arith.addi %add3A_109, %iota3A : vector<16xi32>
        %gt3A_111 = vector.broadcast %squeeze3A : i32 to vector<16xi32>
        %gt3A_112 = arith.cmpi sgt, %get3A_106, %gt3A_111 : vector<16xi32>
        %eq3A_113 = vector.broadcast %squeeze3A : i32 to vector<16xi32>
        %eq3A_114 = arith.cmpi eq, %get3A_106, %eq3A_113 : vector<16xi32>
        %le3A_115 = vector.broadcast %squeeze3A_13 : i32 to vector<16xi32>
        %le3A_116 = arith.cmpi sle, %add3A_110, %le3A_115 : vector<16xi32>
        %and3A_117 = arith.andi %eq3A_114, %le3A_116 : vector<16xi1>
        %or3A_118 = arith.ori %gt3A_112, %and3A_117 : vector<16xi1>
        %jit3A_119 = arith.constant 1.000000e+00 : f32
        %jit3A_120 = arith.constant 0.000000e+00 : f32
        %broadcast_in_dim3A_121 = vector.broadcast %jit3A_119 : f32 to vector<16xf32>
        %broadcast_in_dim3A_122 = vector.broadcast %jit3A_120 : f32 to vector<16xf32>
        %select_n3A_123 = arith.select %or3A_118, %broadcast_in_dim3A_121, %broadcast_in_dim3A_122 : vector<16xi1>, vector<16xf32>
        %mul3A_124 = arith.constant 16 : i32
        %mul3A_125 = arith.muli %scan3A_101, %mul3A_124 : i32
        %swap3A_126 = arith.index_cast %mul3A_125 : i32 to index
        %swap3A_127 = tpu.vector_load %arg6[%swap3A_126] {strides = array<i32>} : memref<32768xf32, #tpu.memory_space<vmem>>, vector<16xf32>,
        %swap3A_128 = vector.shape_cast %swap3A_127 : vector<16xf32> to vector<16xf32>
        %swap3A_129 = vector.shape_cast %select_n3A_123 : vector<16xf32> to vector<16xf32>
        tpu.vector_store %arg6[%swap3A_126], %swap3A_129 {strides = array<i32>} : memref<32768xf32, #tpu.memory_space<vmem>>, vector<16xf32>,
        %scan3A_130 = arith.constant 4 : i32
        %scan3A_131 = arith.addi %scan3A_20, %scan3A_130 : i32
        %mul3A_132 = arith.constant 16 : i32
        %mul3A_133 = arith.muli %scan3A_131, %mul3A_132 : i32
        %get3A_134 = arith.index_cast %mul3A_133 : i32 to index
        %get3A_135 = tpu.vector_load %arg5[%get3A_134] {strides = array<i32>} : memref<32768xi32, #tpu.memory_space<vmem>>, vector<16xi32>,
        %get3A_136 = vector.shape_cast %get3A_135 : vector<16xi32> to vector<16xi32>
        %mul3A_137 = arith.constant 16 : i32
        %mul3A_138 = arith.muli %scan3A_131, %mul3A_137 : i32
        %add3A_139 = vector.broadcast %mul3A_138 : i32 to vector<16xi32>
        %add3A_140 = arith.addi %add3A_139, %iota3A : vector<16xi32>
        %gt3A_141 = vector.broadcast %squeeze3A : i32 to vector<16xi32>
        %gt3A_142 = arith.cmpi sgt, %get3A_136, %gt3A_141 : vector<16xi32>
        %eq3A_143 = vector.broadcast %squeeze3A : i32 to vector<16xi32>
        %eq3A_144 = arith.cmpi eq, %get3A_136, %eq3A_143 : vector<16xi32>
        %le3A_145 = vector.broadcast %squeeze3A_13 : i32 to vector<16xi32>
        %le3A_146 = arith.cmpi sle, %add3A_140, %le3A_145 : vector<16xi32>
        %and3A_147 = arith.andi %eq3A_144, %le3A_146 : vector<16xi1>
        %or3A_148 = arith.ori %gt3A_142, %and3A_147 : vector<16xi1>
        %jit3A_149 = arith.constant 1.000000e+00 : f32
        %jit3A_150 = arith.constant 0.000000e+00 : f32
        %broadcast_in_dim3A_151 = vector.broadcast %jit3A_149 : f32 to vector<16xf32>
        %broadcast_in_dim3A_152 = vector.broadcast %jit3A_150 : f32 to vector<16xf32>
        %select_n3A_153 = arith.select %or3A_148, %broadcast_in_dim3A_151, %broadcast_in_dim3A_152 : vector<16xi1>, vector<16xf32>
        %mul3A_154 = arith.constant 16 : i32
        %mul3A_155 = arith.muli %scan3A_131, %mul3A_154 : i32
        %swap3A_156 = arith.index_cast %mul3A_155 : i32 to index
        %swap3A_157 = tpu.vector_load %arg6[%swap3A_156] {strides = array<i32>} : memref<32768xf32, #tpu.memory_space<vmem>>, vector<16xf32>,
        %swap3A_158 = vector.shape_cast %swap3A_157 : vector<16xf32> to vector<16xf32>
        %swap3A_159 = vector.shape_cast %select_n3A_153 : vector<16xf32> to vector<16xf32>
        tpu.vector_store %arg6[%swap3A_156], %swap3A_159 {strides = array<i32>} : memref<32768xf32, #tpu.memory_space<vmem>>, vector<16xf32>,
        %scan3A_160 = arith.constant 5 : i32
        %scan3A_161 = arith.addi %scan3A_20, %scan3A_160 : i32
        %mul3A_162 = arith.constant 16 : i32
        %mul3A_163 = arith.muli %scan3A_161, %mul3A_162 : i32
        %get3A_164 = arith.index_cast %mul3A_163 : i32 to index
        %get3A_165 = tpu.vector_load %arg5[%get3A_164] {strides = array<i32>} : memref<32768xi32, #tpu.memory_space<vmem>>, vector<16xi32>,
        %get3A_166 = vector.shape_cast %get3A_165 : vector<16xi32> to vector<16xi32>
        %mul3A_167 = arith.constant 16 : i32
        %mul3A_168 = arith.muli %scan3A_161, %mul3A_167 : i32
        %add3A_169 = vector.broadcast %mul3A_168 : i32 to vector<16xi32>
        %add3A_170 = arith.addi %add3A_169, %iota3A : vector<16xi32>
        %gt3A_171 = vector.broadcast %squeeze3A : i32 to vector<16xi32>
        %gt3A_172 = arith.cmpi sgt, %get3A_166, %gt3A_171 : vector<16xi32>
        %eq3A_173 = vector.broadcast %squeeze3A : i32 to vector<16xi32>
        %eq3A_174 = arith.cmpi eq, %get3A_166, %eq3A_173 : vector<16xi32>
        %le3A_175 = vector.broadcast %squeeze3A_13 : i32 to vector<16xi32>
        %le3A_176 = arith.cmpi sle, %add3A_170, %le3A_175 : vector<16xi32>
        %and3A_177 = arith.andi %eq3A_174, %le3A_176 : vector<16xi1>
        %or3A_178 = arith.ori %gt3A_172, %and3A_177 : vector<16xi1>
        %jit3A_179 = arith.constant 1.000000e+00 : f32
        %jit3A_180 = arith.constant 0.000000e+00 : f32
        %broadcast_in_dim3A_181 = vector.broadcast %jit3A_179 : f32 to vector<16xf32>
        %broadcast_in_dim3A_182 = vector.broadcast %jit3A_180 : f32 to vector<16xf32>
        %select_n3A_183 = arith.select %or3A_178, %broadcast_in_dim3A_181, %broadcast_in_dim3A_182 : vector<16xi1>, vector<16xf32>
        %mul3A_184 = arith.constant 16 : i32
        %mul3A_185 = arith.muli %scan3A_161, %mul3A_184 : i32
        %swap3A_186 = arith.index_cast %mul3A_185 : i32 to index
        %swap3A_187 = tpu.vector_load %arg6[%swap3A_186] {strides = array<i32>} : memref<32768xf32, #tpu.memory_space<vmem>>, vector<16xf32>,
        %swap3A_188 = vector.shape_cast %swap3A_187 : vector<16xf32> to vector<16xf32>
        %swap3A_189 = vector.shape_cast %select_n3A_183 : vector<16xf32> to vector<16xf32>
        tpu.vector_store %arg6[%swap3A_186], %swap3A_189 {strides = array<i32>} : memref<32768xf32, #tpu.memory_space<vmem>>, vector<16xf32>,
        %scan3A_190 = arith.constant 6 : i32
        %scan3A_191 = arith.addi %scan3A_20, %scan3A_190 : i32
        %mul3A_192 = arith.constant 16 : i32
        %mul3A_193 = arith.muli %scan3A_191, %mul3A_192 : i32
        %get3A_194 = arith.index_cast %mul3A_193 : i32 to index
        %get3A_195 = tpu.vector_load %arg5[%get3A_194] {strides = array<i32>} : memref<32768xi32, #tpu.memory_space<vmem>>, vector<16xi32>,
        %get3A_196 = vector.shape_cast %get3A_195 : vector<16xi32> to vector<16xi32>
        %mul3A_197 = arith.constant 16 : i32
        %mul3A_198 = arith.muli %scan3A_191, %mul3A_197 : i32
        %add3A_199 = vector.broadcast %mul3A_198 : i32 to vector<16xi32>
        %add3A_200 = arith.addi %add3A_199, %iota3A : vector<16xi32>
        %gt3A_201 = vector.broadcast %squeeze3A : i32 to vector<16xi32>
        %gt3A_202 = arith.cmpi sgt, %get3A_196, %gt3A_201 : vector<16xi32>
        %eq3A_203 = vector.broadcast %squeeze3A : i32 to vector<16xi32>
        %eq3A_204 = arith.cmpi eq, %get3A_196, %eq3A_203 : vector<16xi32>
        %le3A_205 = vector.broadcast %squeeze3A_13 : i32 to vector<16xi32>
        %le3A_206 = arith.cmpi sle, %add3A_200, %le3A_205 : vector<16xi32>
        %and3A_207 = arith.andi %eq3A_204, %le3A_206 : vector<16xi1>
        %or3A_208 = arith.ori %gt3A_202, %and3A_207 : vector<16xi1>
        %jit3A_209 = arith.constant 1.000000e+00 : f32
        %jit3A_210 = arith.constant 0.000000e+00 : f32
        %broadcast_in_dim3A_211 = vector.broadcast %jit3A_209 : f32 to vector<16xf32>
        %broadcast_in_dim3A_212 = vector.broadcast %jit3A_210 : f32 to vector<16xf32>
        %select_n3A_213 = arith.select %or3A_208, %broadcast_in_dim3A_211, %broadcast_in_dim3A_212 : vector<16xi1>, vector<16xf32>
        %mul3A_214 = arith.constant 16 : i32
        %mul3A_215 = arith.muli %scan3A_191, %mul3A_214 : i32
        %swap3A_216 = arith.index_cast %mul3A_215 : i32 to index
        %swap3A_217 = tpu.vector_load %arg6[%swap3A_216] {strides = array<i32>} : memref<32768xf32, #tpu.memory_space<vmem>>, vector<16xf32>,
        %swap3A_218 = vector.shape_cast %swap3A_217 : vector<16xf32> to vector<16xf32>
        %swap3A_219 = vector.shape_cast %select_n3A_213 : vector<16xf32> to vector<16xf32>
        tpu.vector_store %arg6[%swap3A_216], %swap3A_219 {strides = array<i32>} : memref<32768xf32, #tpu.memory_space<vmem>>, vector<16xf32>,
        %scan3A_220 = arith.constant 7 : i32
        %scan3A_221 = arith.addi %scan3A_20, %scan3A_220 : i32
        %mul3A_222 = arith.constant 16 : i32
        %mul3A_223 = arith.muli %scan3A_221, %mul3A_222 : i32
        %get3A_224 = arith.index_cast %mul3A_223 : i32 to index
        %get3A_225 = tpu.vector_load %arg5[%get3A_224] {strides = array<i32>} : memref<32768xi32, #tpu.memory_space<vmem>>, vector<16xi32>,
        %get3A_226 = vector.shape_cast %get3A_225 : vector<16xi32> to vector<16xi32>
        %mul3A_227 = arith.constant 16 : i32
        %mul3A_228 = arith.muli %scan3A_221, %mul3A_227 : i32
        %add3A_229 = vector.broadcast %mul3A_228 : i32 to vector<16xi32>
        %add3A_230 = arith.addi %add3A_229, %iota3A : vector<16xi32>
        %gt3A_231 = vector.broadcast %squeeze3A : i32 to vector<16xi32>
        %gt3A_232 = arith.cmpi sgt, %get3A_226, %gt3A_231 : vector<16xi32>
        %eq3A_233 = vector.broadcast %squeeze3A : i32 to vector<16xi32>
        %eq3A_234 = arith.cmpi eq, %get3A_226, %eq3A_233 : vector<16xi32>
        %le3A_235 = vector.broadcast %squeeze3A_13 : i32 to vector<16xi32>
        %le3A_236 = arith.cmpi sle, %add3A_230, %le3A_235 : vector<16xi32>
        %and3A_237 = arith.andi %eq3A_234, %le3A_236 : vector<16xi1>
        %or3A_238 = arith.ori %gt3A_232, %and3A_237 : vector<16xi1>
        %jit3A_239 = arith.constant 1.000000e+00 : f32
        %jit3A_240 = arith.constant 0.000000e+00 : f32
        %broadcast_in_dim3A_241 = vector.broadcast %jit3A_239 : f32 to vector<16xf32>
        %broadcast_in_dim3A_242 = vector.broadcast %jit3A_240 : f32 to vector<16xf32>
        %select_n3A_243 = arith.select %or3A_238, %broadcast_in_dim3A_241, %broadcast_in_dim3A_242 : vector<16xi1>, vector<16xf32>
        %mul3A_244 = arith.constant 16 : i32
        %mul3A_245 = arith.muli %scan3A_221, %mul3A_244 : i32
        %swap3A_246 = arith.index_cast %mul3A_245 : i32 to index
        %swap3A_247 = tpu.vector_load %arg6[%swap3A_246] {strides = array<i32>} : memref<32768xf32, #tpu.memory_space<vmem>>, vector<16xf32>,
        %swap3A_248 = vector.shape_cast %swap3A_247 : vector<16xf32> to vector<16xf32>
        %swap3A_249 = vector.shape_cast %select_n3A_243 : vector<16xf32> to vector<16xf32>
        tpu.vector_store %arg6[%swap3A_246], %swap3A_249 {strides = array<i32>} : memref<32768xf32, #tpu.memory_space<vmem>>, vector<16xf32>,
      }
      %scan3A_19 = arith.constant 2048 : i32
      "tpu.region"() ({
        %run_scoped3A = tpu.sem_alloc : memref<!tpu.dma_semaphore, #tpu.memory_space<semaphore_mem>>
        %dma_start3A = arith.constant 0 : i32
        %dma_start3A_20 = tpu.memref_slice %arg4[%add3A_9, %dma_start3A] : memref<128x32768xf32, #tpu.memory_space<hbm>> -> memref<1x32768xf32, #tpu.memory_space<hbm>>
        %dma_start3A_21 = tpu.memref_squeeze %dma_start3A_20 : memref<1x32768xf32, #tpu.memory_space<hbm>> -> memref<32768xf32, #tpu.memory_space<hbm>>
        %dma_start3A_22 = arith.constant 0 : i32
        %dma_start3A_23 = tpu.memref_slice %arg4[%add3A_9, %dma_start3A_22] : memref<128x32768xf32, #tpu.memory_space<hbm>> -> memref<1x32768xf32, #tpu.memory_space<hbm>>
        %dma_start3A_24 = tpu.memref_squeeze %dma_start3A_23 : memref<1x32768xf32, #tpu.memory_space<hbm>> -> memref<32768xf32, #tpu.memory_space<hbm>>
        tpu.enqueue_dma source(%arg6 : memref<32768xf32, #tpu.memory_space<vmem>>) target(%dma_start3A_24 : memref<32768xf32, #tpu.memory_space<hbm>>) target_semaphore(%run_scoped3A : memref<!tpu.dma_semaphore, #tpu.memory_space<semaphore_mem>>)
        %dma_wait3A = arith.constant 0 : i32
        %dma_wait3A_25 = tpu.memref_slice %arg4[%add3A_9, %dma_wait3A] : memref<128x32768xf32, #tpu.memory_space<hbm>> -> memref<1x32768xf32, #tpu.memory_space<hbm>>
        %dma_wait3A_26 = tpu.memref_squeeze %dma_wait3A_25 : memref<1x32768xf32, #tpu.memory_space<hbm>> -> memref<32768xf32, #tpu.memory_space<hbm>>
        %dma_wait3A_27 = arith.constant 0 : i32
        %dma_wait3A_28 = tpu.memref_slice %arg4[%add3A_9, %dma_wait3A_27] : memref<128x32768xf32, #tpu.memory_space<hbm>> -> memref<1x32768xf32, #tpu.memory_space<hbm>>
        %dma_wait3A_29 = tpu.memref_squeeze %dma_wait3A_28 : memref<1x32768xf32, #tpu.memory_space<hbm>> -> memref<32768xf32, #tpu.memory_space<hbm>>
        tpu.wait_dma2 semaphore(%run_scoped3A : memref<!tpu.dma_semaphore, #tpu.memory_space<semaphore_mem>>) src(%arg6 : memref<32768xf32, #tpu.memory_space<vmem>>) dst(%dma_wait3A_29 : memref<32768xf32, #tpu.memory_space<hbm>>)
        tpu.yield
      }) : () -> ()
    }
    %scan3A_5 = arith.constant 4 : i32
    return
  }
}

module attributes {stable_mosaic.version = 14 : i64} {
  func.func @_scores_kernel(%arg0: i32, %arg1: memref<128x1024xf32, #tpu.memory_space<vmem>>, %arg2: memref<2048x1024xf32, #tpu.memory_space<vmem>>, %arg3: memref<1x2048xf32, #tpu.memory_space<vmem>>, %arg4: memref<1x2048xf32, #tpu.memory_space<vmem>>, %arg5: memref<1x2048xf32, #tpu.memory_space<vmem>>, %arg6: memref<128x2048xf32, #tpu.memory_space<vmem>>, %arg7: memref<128x2048xi32, #tpu.memory_space<vmem>>) attributes {dimension_semantics = [#tpu.dimension_semantics<arbitrary>], iteration_bounds = array<i64: 16>, scalar_prefetch = 0 : i64, scratch_operands = 0 : i64, tpu.core_type = #tpu.core_type<tc>, window_params = [{pipeline_mode = #tpu.pipeline_mode<synchronous>, transform_indices = @transform_0, window_bounds = array<i64: 128, 1024>}, {transform_indices = @transform_1, window_bounds = array<i64: 2048, 1024>}, {transform_indices = @transform_2, window_bounds = array<i64: 1, 2048>}, {transform_indices = @transform_3, window_bounds = array<i64: 1, 2048>}, {transform_indices = @transform_4, window_bounds = array<i64: 1, 2048>}, {transform_indices = @transform_5, window_bounds = array<i64: 128, 2048>}, {transform_indices = @transform_6, window_bounds = array<i64: 128, 2048>}]} {
    %get3A = arith.constant 0 : index
    %get3A_0 = arith.constant 0 : index
    %get3A_1 = vector.load %arg1[%get3A, %get3A_0] : memref<128x1024xf32, #tpu.memory_space<vmem>>, vector<128x1024xf32>
    %get3A_2 = arith.constant 0 : index
    %get3A_3 = arith.constant 0 : index
    %get3A_4 = vector.load %arg2[%get3A_2, %get3A_3] : memref<2048x1024xf32, #tpu.memory_space<vmem>>, vector<2048x1024xf32>
    %dot_general3A = arith.constant dense<0.000000e+00> : vector<128x2048xf32>
    %dot_general3A_5 = tpu.matmul %get3A_1, %get3A_4, %dot_general3A {dimension_numbers = #tpu.dot_dimension_numbers<[1], [1], [0], [0], [0, 0, 1, 0], [], []>, transpose_lhs_hint = false} : vector<128x1024xf32>, vector<2048x1024xf32>, vector<128x2048xf32> -> vector<128x2048xf32>
    %get3A_6 = arith.constant 0 : index
    %get3A_7 = arith.constant 0 : index
    %get3A_8 = vector.load %arg3[%get3A_6, %get3A_7] : memref<1x2048xf32, #tpu.memory_space<vmem>>, vector<1x2048xf32>
    %get3A_9 = arith.constant 0 : index
    %get3A_10 = arith.constant 0 : index
    %get3A_11 = vector.load %arg4[%get3A_9, %get3A_10] : memref<1x2048xf32, #tpu.memory_space<vmem>>, vector<1x2048xf32>
    %mul3A = arith.constant 3.000000e-01 : f32
    %mul3A_12 = vector.broadcast %mul3A : f32 to vector<1x2048xf32>
    %mul3A_13 = arith.mulf %get3A_11, %mul3A_12 : vector<1x2048xf32>
    %add3A = arith.addf %get3A_8, %mul3A_13 : vector<1x2048xf32>
    %get3A_14 = arith.constant 0 : index
    %get3A_15 = arith.constant 0 : index
    %get3A_16 = vector.load %arg5[%get3A_14, %get3A_15] : memref<1x2048xf32, #tpu.memory_space<vmem>>, vector<1x2048xf32>
    %add3A_17 = arith.constant 9.99999997E-7 : f32
    %add3A_18 = vector.broadcast %add3A_17 : f32 to vector<1x2048xf32>
    %add3A_19 = arith.addf %get3A_16, %add3A_18 : vector<1x2048xf32>
    %div3A = arith.constant 1.000000e+00 : f32
    %div3A_20 = vector.broadcast %div3A : f32 to vector<1x2048xf32>
    %div3A_21 = arith.divf %div3A_20, %add3A_19 : vector<1x2048xf32>
    %mul3A_22 = arith.constant 1.000000e-01 : f32
    %mul3A_23 = vector.broadcast %mul3A_22 : f32 to vector<1x2048xf32>
    %mul3A_24 = arith.mulf %div3A_21, %mul3A_23 : vector<1x2048xf32>
    %add3A_25 = arith.addf %add3A, %mul3A_24 : vector<1x2048xf32>
    %add3A_26 = vector.broadcast %add3A_25 : vector<1x2048xf32> to vector<128x2048xf32>
    %add3A_27 = arith.addf %dot_general3A_5, %add3A_26 : vector<128x2048xf32>
    %swap3A = arith.constant 0 : index
    %swap3A_28 = arith.constant 0 : index
    %swap3A_29 = vector.load %arg6[%swap3A, %swap3A_28] : memref<128x2048xf32, #tpu.memory_space<vmem>>, vector<128x2048xf32>
    tpu.vector_store %arg6[%swap3A, %swap3A_28], %add3A_27 {strides = array<i32>} : memref<128x2048xf32, #tpu.memory_space<vmem>>, vector<128x2048xf32>,
    %bitcast_convert_type3A = tpu.bitcast %add3A_27 : vector<128x2048xf32> -> vector<128x2048xi32>
    %lt3A = arith.constant 0 : i32
    %lt3A_30 = vector.broadcast %lt3A : i32 to vector<128x2048xi32>
    %lt3A_31 = arith.cmpi slt, %bitcast_convert_type3A, %lt3A_30 : vector<128x2048xi32>
    %xor3A = arith.constant 2147483647 : i32
    %xor3A_32 = vector.broadcast %xor3A : i32 to vector<128x2048xi32>
    %xor3A_33 = arith.xori %bitcast_convert_type3A, %xor3A_32 : vector<128x2048xi32>
    %select_n3A = arith.select %lt3A_31, %xor3A_33, %bitcast_convert_type3A : vector<128x2048xi1>, vector<128x2048xi32>
    %swap3A_34 = arith.constant 0 : index
    %swap3A_35 = arith.constant 0 : index
    %swap3A_36 = vector.load %arg7[%swap3A_34, %swap3A_35] : memref<128x2048xi32, #tpu.memory_space<vmem>>, vector<128x2048xi32>
    tpu.vector_store %arg7[%swap3A_34, %swap3A_35], %select_n3A {strides = array<i32>} : memref<128x2048xi32, #tpu.memory_space<vmem>>, vector<128x2048xi32>,
    return
  }
  func.func @transform_0(%arg0: i32) -> (i32, i32) {
    %c0_i32 = arith.constant 0 : i32
    %c0_i32_0 = arith.constant 0 : i32
    %c0_i32_1 = arith.constant 0 : i32
    return %c0_i32, %c0_i32_0 : i32, i32
  }
  func.func @transform_1(%arg0: i32) -> (i32, i32) {
    %c0_i32 = arith.constant 0 : i32
    %c0_i32_0 = arith.constant 0 : i32
    return %arg0, %c0_i32 : i32, i32
  }
  func.func @transform_2(%arg0: i32) -> (i32, i32) {
    %c0_i32 = arith.constant 0 : i32
    %c0_i32_0 = arith.constant 0 : i32
    return %c0_i32, %arg0 : i32, i32
  }
  func.func @transform_3(%arg0: i32) -> (i32, i32) {
    %c0_i32 = arith.constant 0 : i32
    %c0_i32_0 = arith.constant 0 : i32
    return %c0_i32, %arg0 : i32, i32
  }
  func.func @transform_4(%arg0: i32) -> (i32, i32) {
    %c0_i32 = arith.constant 0 : i32
    %c0_i32_0 = arith.constant 0 : i32
    return %c0_i32, %arg0 : i32, i32
  }
  func.func @transform_5(%arg0: i32) -> (i32, i32) {
    %c0_i32 = arith.constant 0 : i32
    %c0_i32_0 = arith.constant 0 : i32
    return %c0_i32, %arg0 : i32, i32
  }
  func.func @transform_6(%arg0: i32) -> (i32, i32) {
    %c0_i32 = arith.constant 0 : i32
    %c0_i32_0 = arith.constant 0 : i32
    return %c0_i32, %arg0 : i32, i32
  }
}

module attributes {stable_mosaic.version = 14 : i64} {
  func.func @_hg_kernel(%arg0: memref<128x2048xf32, #tpu.memory_space<vmem>>, %arg1: memref<1024x2048xf32, #tpu.memory_space<vmem>>, %arg2: memref<1x1024xf32, #tpu.memory_space<vmem>>, %arg3: memref<1x1024xf32, #tpu.memory_space<vmem>>, %arg4: memref<1x1024xf32, #tpu.memory_space<vmem>>, %arg5: memref<128x1024xf32, #tpu.memory_space<vmem>>) attributes {dimension_semantics = [], scalar_prefetch = 0 : i64, scratch_operands = 0 : i64, tpu.core_type = #tpu.core_type<tc>} {
    %get3A = arith.constant 0 : index
    %get3A_0 = arith.constant 0 : index
    %get3A_1 = vector.load %arg0[%get3A, %get3A_0] : memref<128x2048xf32, #tpu.memory_space<vmem>>, vector<128x2048xf32>
    %get3A_2 = arith.constant 0 : index
    %get3A_3 = arith.constant 0 : index
    %get3A_4 = vector.load %arg1[%get3A_2, %get3A_3] : memref<1024x2048xf32, #tpu.memory_space<vmem>>, vector<1024x2048xf32>
    %dot_general3A = arith.constant dense<0.000000e+00> : vector<128x1024xf32>
    %dot_general3A_5 = tpu.matmul %get3A_1, %get3A_4, %dot_general3A {dimension_numbers = #tpu.dot_dimension_numbers<[1], [1], [0], [0], [0, 0, 1, 0], [], []>, transpose_lhs_hint = false} : vector<128x2048xf32>, vector<1024x2048xf32>, vector<128x1024xf32> -> vector<128x1024xf32>
    %get3A_6 = arith.constant 0 : index
    %get3A_7 = arith.constant 0 : index
    %get3A_8 = vector.load %arg2[%get3A_6, %get3A_7] : memref<1x1024xf32, #tpu.memory_space<vmem>>, vector<1x1024xf32>
    %add3A = vector.broadcast %get3A_8 : vector<1x1024xf32> to vector<128x1024xf32>
    %add3A_9 = arith.addf %dot_general3A_5, %add3A : vector<128x1024xf32>
    %reduce_sum3A = arith.constant dense<0.000000e+00> : vector<128xf32>
    %reduce_sum3A_10 = vector.multi_reduction <add>, %add3A_9, %reduce_sum3A [1] : vector<128x1024xf32> to vector<128xf32>
    %broadcast_in_dim3A = vector.shape_cast %reduce_sum3A_10 : vector<128xf32> to vector<128x1xf32>
    %div3A = arith.constant 1.024000e+03 : f32
    %div3A_11 = vector.broadcast %div3A : f32 to vector<128x1xf32>
    %div3A_12 = arith.divf %broadcast_in_dim3A, %div3A_11 : vector<128x1xf32>
    %sub3A = vector.broadcast %div3A_12 : vector<128x1xf32> to vector<128x1024xf32>
    %sub3A_13 = arith.subf %add3A_9, %sub3A : vector<128x1024xf32>
    %integer_pow3A = arith.mulf %sub3A_13, %sub3A_13 : vector<128x1024xf32>
    %reduce_sum3A_14 = arith.constant dense<0.000000e+00> : vector<128xf32>
    %reduce_sum3A_15 = vector.multi_reduction <add>, %integer_pow3A, %reduce_sum3A_14 [1] : vector<128x1024xf32> to vector<128xf32>
    %broadcast_in_dim3A_16 = vector.shape_cast %reduce_sum3A_15 : vector<128xf32> to vector<128x1xf32>
    %div3A_17 = arith.constant 1.024000e+03 : f32
    %div3A_18 = vector.broadcast %div3A_17 : f32 to vector<128x1xf32>
    %div3A_19 = arith.divf %broadcast_in_dim3A_16, %div3A_18 : vector<128x1xf32>
    %sub3A_20 = vector.broadcast %div3A_12 : vector<128x1xf32> to vector<128x1024xf32>
    %sub3A_21 = arith.subf %add3A_9, %sub3A_20 : vector<128x1024xf32>
    %add3A_22 = arith.constant 9.99999974E-6 : f32
    %add3A_23 = vector.broadcast %add3A_22 : f32 to vector<128x1xf32>
    %add3A_24 = arith.addf %div3A_19, %add3A_23 : vector<128x1xf32>
    %sqrt3A = math.sqrt %add3A_24 : vector<128x1xf32>
    %div3A_25 = vector.broadcast %sqrt3A : vector<128x1xf32> to vector<128x1024xf32>
    %div3A_26 = arith.divf %sub3A_21, %div3A_25 : vector<128x1024xf32>
    %get3A_27 = arith.constant 0 : index
    %get3A_28 = arith.constant 0 : index
    %get3A_29 = vector.load %arg3[%get3A_27, %get3A_28] : memref<1x1024xf32, #tpu.memory_space<vmem>>, vector<1x1024xf32>
    %mul3A = vector.broadcast %get3A_29 : vector<1x1024xf32> to vector<128x1024xf32>
    %mul3A_30 = arith.mulf %div3A_26, %mul3A : vector<128x1024xf32>
    %get3A_31 = arith.constant 0 : index
    %get3A_32 = arith.constant 0 : index
    %get3A_33 = vector.load %arg4[%get3A_31, %get3A_32] : memref<1x1024xf32, #tpu.memory_space<vmem>>, vector<1x1024xf32>
    %add3A_34 = vector.broadcast %get3A_33 : vector<1x1024xf32> to vector<128x1024xf32>
    %add3A_35 = arith.addf %mul3A_30, %add3A_34 : vector<128x1024xf32>
    %mul3A_36 = arith.constant 5.000000e-01 : f32
    %mul3A_37 = vector.broadcast %mul3A_36 : f32 to vector<128x1024xf32>
    %mul3A_38 = arith.mulf %mul3A_37, %add3A_35 : vector<128x1024xf32>
    %sqrt3A_39 = arith.constant 2.000000e+00 : f32
    %sqrt3A_40 = math.sqrt %sqrt3A_39 : f32
    %div3A_41 = arith.constant 1.000000e+00 : f32
    %div3A_42 = arith.divf %div3A_41, %sqrt3A_40 : f32
    %mul3A_43 = vector.broadcast %div3A_42 : f32 to vector<128x1024xf32>
    %mul3A_44 = arith.mulf %add3A_35, %mul3A_43 : vector<128x1024xf32>
    %erf3A = math.erf %mul3A_44 : vector<128x1024xf32>
    %add3A_45 = arith.constant 1.000000e+00 : f32
    %add3A_46 = vector.broadcast %add3A_45 : f32 to vector<128x1024xf32>
    %add3A_47 = arith.addf %add3A_46, %erf3A : vector<128x1024xf32>
    %mul3A_48 = arith.mulf %mul3A_38, %add3A_47 : vector<128x1024xf32>
    %swap3A = arith.constant 0 : index
    %swap3A_49 = arith.constant 0 : index
    %swap3A_50 = vector.load %arg5[%swap3A, %swap3A_49] : memref<128x1024xf32, #tpu.memory_space<vmem>>, vector<128x1024xf32>
    tpu.vector_store %arg5[%swap3A, %swap3A_49], %mul3A_48 {strides = array<i32>} : memref<128x1024xf32, #tpu.memory_space<vmem>>, vector<128x1024xf32>,
    return
  }
}

module attributes {stable_mosaic.version = 14 : i64} {
  func.func @_thresh_kernel(%arg0: i32, %arg1: memref<8x32768xi32, #tpu.memory_space<vmem>>, %arg2: memref<8x128xi32, #tpu.memory_space<vmem>>) attributes {dimension_semantics = [#tpu.dimension_semantics<arbitrary>], iteration_bounds = array<i64: 16>, scalar_prefetch = 0 : i64, scratch_operands = 0 : i64, tpu.core_type = #tpu.core_type<tc>, window_params = [{transform_indices = @transform_0, window_bounds = array<i64: 8, 32768>}, {transform_indices = @transform_1, window_bounds = array<i64: 8, 128>}]} {
    %get3A = arith.constant 0 : index
    %get3A_0 = arith.constant 0 : index
    %get3A_1 = vector.load %arg1[%get3A, %get3A_0] : memref<8x32768xi32, #tpu.memory_space<vmem>>, vector<8x32768xi32>
    %slice3A = vector.extract_strided_slice %get3A_1 {offsets = [0, 0], sizes = [8, 128], strides = [1, 1]} : vector<8x32768xi32> to vector<8x128xi32>
    %slice3A_2 = vector.extract_strided_slice %get3A_1 {offsets = [0, 128], sizes = [8, 128], strides = [1, 1]} : vector<8x32768xi32> to vector<8x128xi32>
    %max3A = arith.maxsi %slice3A, %slice3A_2 : vector<8x128xi32>
    %slice3A_3 = vector.extract_strided_slice %get3A_1 {offsets = [0, 256], sizes = [8, 128], strides = [1, 1]} : vector<8x32768xi32> to vector<8x128xi32>
    %max3A_4 = arith.maxsi %max3A, %slice3A_3 : vector<8x128xi32>
    %slice3A_5 = vector.extract_strided_slice %get3A_1 {offsets = [0, 384], sizes = [8, 128], strides = [1, 1]} : vector<8x32768xi32> to vector<8x128xi32>
    %max3A_6 = arith.maxsi %max3A_4, %slice3A_5 : vector<8x128xi32>
    %slice3A_7 = vector.extract_strided_slice %get3A_1 {offsets = [0, 512], sizes = [8, 128], strides = [1, 1]} : vector<8x32768xi32> to vector<8x128xi32>
    %max3A_8 = arith.maxsi %max3A_6, %slice3A_7 : vector<8x128xi32>
    %slice3A_9 = vector.extract_strided_slice %get3A_1 {offsets = [0, 640], sizes = [8, 128], strides = [1, 1]} : vector<8x32768xi32> to vector<8x128xi32>
    %max3A_10 = arith.maxsi %max3A_8, %slice3A_9 : vector<8x128xi32>
    %slice3A_11 = vector.extract_strided_slice %get3A_1 {offsets = [0, 768], sizes = [8, 128], strides = [1, 1]} : vector<8x32768xi32> to vector<8x128xi32>
    %max3A_12 = arith.maxsi %max3A_10, %slice3A_11 : vector<8x128xi32>
    %slice3A_13 = vector.extract_strided_slice %get3A_1 {offsets = [0, 896], sizes = [8, 128], strides = [1, 1]} : vector<8x32768xi32> to vector<8x128xi32>
    %max3A_14 = arith.maxsi %max3A_12, %slice3A_13 : vector<8x128xi32>
    %slice3A_15 = vector.extract_strided_slice %get3A_1 {offsets = [0, 1024], sizes = [8, 128], strides = [1, 1]} : vector<8x32768xi32> to vector<8x128xi32>
    %max3A_16 = arith.maxsi %max3A_14, %slice3A_15 : vector<8x128xi32>
    %slice3A_17 = vector.extract_strided_slice %get3A_1 {offsets = [0, 1152], sizes = [8, 128], strides = [1, 1]} : vector<8x32768xi32> to vector<8x128xi32>
    %max3A_18 = arith.maxsi %max3A_16, %slice3A_17 : vector<8x128xi32>
    %slice3A_19 = vector.extract_strided_slice %get3A_1 {offsets = [0, 1280], sizes = [8, 128], strides = [1, 1]} : vector<8x32768xi32> to vector<8x128xi32>
    %max3A_20 = arith.maxsi %max3A_18, %slice3A_19 : vector<8x128xi32>
    %slice3A_21 = vector.extract_strided_slice %get3A_1 {offsets = [0, 1408], sizes = [8, 128], strides = [1, 1]} : vector<8x32768xi32> to vector<8x128xi32>
    %max3A_22 = arith.maxsi %max3A_20, %slice3A_21 : vector<8x128xi32>
    %slice3A_23 = vector.extract_strided_slice %get3A_1 {offsets = [0, 1536], sizes = [8, 128], strides = [1, 1]} : vector<8x32768xi32> to vector<8x128xi32>
    %max3A_24 = arith.maxsi %max3A_22, %slice3A_23 : vector<8x128xi32>
    %slice3A_25 = vector.extract_strided_slice %get3A_1 {offsets = [0, 1664], sizes = [8, 128], strides = [1, 1]} : vector<8x32768xi32> to vector<8x128xi32>
    %max3A_26 = arith.maxsi %max3A_24, %slice3A_25 : vector<8x128xi32>
    %slice3A_27 = vector.extract_strided_slice %get3A_1 {offsets = [0, 1792], sizes = [8, 128], strides = [1, 1]} : vector<8x32768xi32> to vector<8x128xi32>
    %max3A_28 = arith.maxsi %max3A_26, %slice3A_27 : vector<8x128xi32>
    %slice3A_29 = vector.extract_strided_slice %get3A_1 {offsets = [0, 1920], sizes = [8, 128], strides = [1, 1]} : vector<8x32768xi32> to vector<8x128xi32>
    %max3A_30 = arith.maxsi %max3A_28, %slice3A_29 : vector<8x128xi32>
    %slice3A_31 = vector.extract_strided_slice %get3A_1 {offsets = [0, 2048], sizes = [8, 128], strides = [1, 1]} : vector<8x32768xi32> to vector<8x128xi32>
    %max3A_32 = arith.maxsi %max3A_30, %slice3A_31 : vector<8x128xi32>
    %slice3A_33 = vector.extract_strided_slice %get3A_1 {offsets = [0, 2176], sizes = [8, 128], strides = [1, 1]} : vector<8x32768xi32> to vector<8x128xi32>
    %max3A_34 = arith.maxsi %max3A_32, %slice3A_33 : vector<8x128xi32>
    %slice3A_35 = vector.extract_strided_slice %get3A_1 {offsets = [0, 2304], sizes = [8, 128], strides = [1, 1]} : vector<8x32768xi32> to vector<8x128xi32>
    %max3A_36 = arith.maxsi %max3A_34, %slice3A_35 : vector<8x128xi32>
    %slice3A_37 = vector.extract_strided_slice %get3A_1 {offsets = [0, 2432], sizes = [8, 128], strides = [1, 1]} : vector<8x32768xi32> to vector<8x128xi32>
    %max3A_38 = arith.maxsi %max3A_36, %slice3A_37 : vector<8x128xi32>
    %slice3A_39 = vector.extract_strided_slice %get3A_1 {offsets = [0, 2560], sizes = [8, 128], strides = [1, 1]} : vector<8x32768xi32> to vector<8x128xi32>
    %max3A_40 = arith.maxsi %max3A_38, %slice3A_39 : vector<8x128xi32>
    %slice3A_41 = vector.extract_strided_slice %get3A_1 {offsets = [0, 2688], sizes = [8, 128], strides = [1, 1]} : vector<8x32768xi32> to vector<8x128xi32>
    %max3A_42 = arith.maxsi %max3A_40, %slice3A_41 : vector<8x128xi32>
    %slice3A_43 = vector.extract_strided_slice %get3A_1 {offsets = [0, 2816], sizes = [8, 128], strides = [1, 1]} : vector<8x32768xi32> to vector<8x128xi32>
    %max3A_44 = arith.maxsi %max3A_42, %slice3A_43 : vector<8x128xi32>
    %slice3A_45 = vector.extract_strided_slice %get3A_1 {offsets = [0, 2944], sizes = [8, 128], strides = [1, 1]} : vector<8x32768xi32> to vector<8x128xi32>
    %max3A_46 = arith.maxsi %max3A_44, %slice3A_45 : vector<8x128xi32>
    %slice3A_47 = vector.extract_strided_slice %get3A_1 {offsets = [0, 3072], sizes = [8, 128], strides = [1, 1]} : vector<8x32768xi32> to vector<8x128xi32>
    %max3A_48 = arith.maxsi %max3A_46, %slice3A_47 : vector<8x128xi32>
    %slice3A_49 = vector.extract_strided_slice %get3A_1 {offsets = [0, 3200], sizes = [8, 128], strides = [1, 1]} : vector<8x32768xi32> to vector<8x128xi32>
    %max3A_50 = arith.maxsi %max3A_48, %slice3A_49 : vector<8x128xi32>
    %slice3A_51 = vector.extract_strided_slice %get3A_1 {offsets = [0, 3328], sizes = [8, 128], strides = [1, 1]} : vector<8x32768xi32> to vector<8x128xi32>
    %max3A_52 = arith.maxsi %max3A_50, %slice3A_51 : vector<8x128xi32>
    %slice3A_53 = vector.extract_strided_slice %get3A_1 {offsets = [0, 3456], sizes = [8, 128], strides = [1, 1]} : vector<8x32768xi32> to vector<8x128xi32>
    %max3A_54 = arith.maxsi %max3A_52, %slice3A_53 : vector<8x128xi32>
    %slice3A_55 = vector.extract_strided_slice %get3A_1 {offsets = [0, 3584], sizes = [8, 128], strides = [1, 1]} : vector<8x32768xi32> to vector<8x128xi32>
    %max3A_56 = arith.maxsi %max3A_54, %slice3A_55 : vector<8x128xi32>
    %slice3A_57 = vector.extract_strided_slice %get3A_1 {offsets = [0, 3712], sizes = [8, 128], strides = [1, 1]} : vector<8x32768xi32> to vector<8x128xi32>
    %max3A_58 = arith.maxsi %max3A_56, %slice3A_57 : vector<8x128xi32>
    %slice3A_59 = vector.extract_strided_slice %get3A_1 {offsets = [0, 3840], sizes = [8, 128], strides = [1, 1]} : vector<8x32768xi32> to vector<8x128xi32>
    %max3A_60 = arith.maxsi %max3A_58, %slice3A_59 : vector<8x128xi32>
    %slice3A_61 = vector.extract_strided_slice %get3A_1 {offsets = [0, 3968], sizes = [8, 128], strides = [1, 1]} : vector<8x32768xi32> to vector<8x128xi32>
    %max3A_62 = arith.maxsi %max3A_60, %slice3A_61 : vector<8x128xi32>
    %slice3A_63 = vector.extract_strided_slice %get3A_1 {offsets = [0, 4096], sizes = [8, 128], strides = [1, 1]} : vector<8x32768xi32> to vector<8x128xi32>
    %max3A_64 = arith.maxsi %max3A_62, %slice3A_63 : vector<8x128xi32>
    %slice3A_65 = vector.extract_strided_slice %get3A_1 {offsets = [0, 4224], sizes = [8, 128], strides = [1, 1]} : vector<8x32768xi32> to vector<8x128xi32>
    %max3A_66 = arith.maxsi %max3A_64, %slice3A_65 : vector<8x128xi32>
    %slice3A_67 = vector.extract_strided_slice %get3A_1 {offsets = [0, 4352], sizes = [8, 128], strides = [1, 1]} : vector<8x32768xi32> to vector<8x128xi32>
    %max3A_68 = arith.maxsi %max3A_66, %slice3A_67 : vector<8x128xi32>
    %slice3A_69 = vector.extract_strided_slice %get3A_1 {offsets = [0, 4480], sizes = [8, 128], strides = [1, 1]} : vector<8x32768xi32> to vector<8x128xi32>
    %max3A_70 = arith.maxsi %max3A_68, %slice3A_69 : vector<8x128xi32>
    %slice3A_71 = vector.extract_strided_slice %get3A_1 {offsets = [0, 4608], sizes = [8, 128], strides = [1, 1]} : vector<8x32768xi32> to vector<8x128xi32>
    %max3A_72 = arith.maxsi %max3A_70, %slice3A_71 : vector<8x128xi32>
    %slice3A_73 = vector.extract_strided_slice %get3A_1 {offsets = [0, 4736], sizes = [8, 128], strides = [1, 1]} : vector<8x32768xi32> to vector<8x128xi32>
    %max3A_74 = arith.maxsi %max3A_72, %slice3A_73 : vector<8x128xi32>
    %slice3A_75 = vector.extract_strided_slice %get3A_1 {offsets = [0, 4864], sizes = [8, 128], strides = [1, 1]} : vector<8x32768xi32> to vector<8x128xi32>
    %max3A_76 = arith.maxsi %max3A_74, %slice3A_75 : vector<8x128xi32>
    %slice3A_77 = vector.extract_strided_slice %get3A_1 {offsets = [0, 4992], sizes = [8, 128], strides = [1, 1]} : vector<8x32768xi32> to vector<8x128xi32>
    %max3A_78 = arith.maxsi %max3A_76, %slice3A_77 : vector<8x128xi32>
    %slice3A_79 = vector.extract_strided_slice %get3A_1 {offsets = [0, 5120], sizes = [8, 128], strides = [1, 1]} : vector<8x32768xi32> to vector<8x128xi32>
    %max3A_80 = arith.maxsi %max3A_78, %slice3A_79 : vector<8x128xi32>
    %slice3A_81 = vector.extract_strided_slice %get3A_1 {offsets = [0, 5248], sizes = [8, 128], strides = [1, 1]} : vector<8x32768xi32> to vector<8x128xi32>
    %max3A_82 = arith.maxsi %max3A_80, %slice3A_81 : vector<8x128xi32>
    %slice3A_83 = vector.extract_strided_slice %get3A_1 {offsets = [0, 5376], sizes = [8, 128], strides = [1, 1]} : vector<8x32768xi32> to vector<8x128xi32>
    %max3A_84 = arith.maxsi %max3A_82, %slice3A_83 : vector<8x128xi32>
    %slice3A_85 = vector.extract_strided_slice %get3A_1 {offsets = [0, 5504], sizes = [8, 128], strides = [1, 1]} : vector<8x32768xi32> to vector<8x128xi32>
    %max3A_86 = arith.maxsi %max3A_84, %slice3A_85 : vector<8x128xi32>
    %slice3A_87 = vector.extract_strided_slice %get3A_1 {offsets = [0, 5632], sizes = [8, 128], strides = [1, 1]} : vector<8x32768xi32> to vector<8x128xi32>
    %max3A_88 = arith.maxsi %max3A_86, %slice3A_87 : vector<8x128xi32>
    %slice3A_89 = vector.extract_strided_slice %get3A_1 {offsets = [0, 5760], sizes = [8, 128], strides = [1, 1]} : vector<8x32768xi32> to vector<8x128xi32>
    %max3A_90 = arith.maxsi %max3A_88, %slice3A_89 : vector<8x128xi32>
    %slice3A_91 = vector.extract_strided_slice %get3A_1 {offsets = [0, 5888], sizes = [8, 128], strides = [1, 1]} : vector<8x32768xi32> to vector<8x128xi32>
    %max3A_92 = arith.maxsi %max3A_90, %slice3A_91 : vector<8x128xi32>
    %slice3A_93 = vector.extract_strided_slice %get3A_1 {offsets = [0, 6016], sizes = [8, 128], strides = [1, 1]} : vector<8x32768xi32> to vector<8x128xi32>
    %max3A_94 = arith.maxsi %max3A_92, %slice3A_93 : vector<8x128xi32>
    %slice3A_95 = vector.extract_strided_slice %get3A_1 {offsets = [0, 6144], sizes = [8, 128], strides = [1, 1]} : vector<8x32768xi32> to vector<8x128xi32>
    %max3A_96 = arith.maxsi %max3A_94, %slice3A_95 : vector<8x128xi32>
    %slice3A_97 = vector.extract_strided_slice %get3A_1 {offsets = [0, 6272], sizes = [8, 128], strides = [1, 1]} : vector<8x32768xi32> to vector<8x128xi32>
    %max3A_98 = arith.maxsi %max3A_96, %slice3A_97 : vector<8x128xi32>
    %slice3A_99 = vector.extract_strided_slice %get3A_1 {offsets = [0, 6400], sizes = [8, 128], strides = [1, 1]} : vector<8x32768xi32> to vector<8x128xi32>
    %max3A_100 = arith.maxsi %max3A_98, %slice3A_99 : vector<8x128xi32>
    %slice3A_101 = vector.extract_strided_slice %get3A_1 {offsets = [0, 6528], sizes = [8, 128], strides = [1, 1]} : vector<8x32768xi32> to vector<8x128xi32>
    %max3A_102 = arith.maxsi %max3A_100, %slice3A_101 : vector<8x128xi32>
    %slice3A_103 = vector.extract_strided_slice %get3A_1 {offsets = [0, 6656], sizes = [8, 128], strides = [1, 1]} : vector<8x32768xi32> to vector<8x128xi32>
    %max3A_104 = arith.maxsi %max3A_102, %slice3A_103 : vector<8x128xi32>
    %slice3A_105 = vector.extract_strided_slice %get3A_1 {offsets = [0, 6784], sizes = [8, 128], strides = [1, 1]} : vector<8x32768xi32> to vector<8x128xi32>
    %max3A_106 = arith.maxsi %max3A_104, %slice3A_105 : vector<8x128xi32>
    %slice3A_107 = vector.extract_strided_slice %get3A_1 {offsets = [0, 6912], sizes = [8, 128], strides = [1, 1]} : vector<8x32768xi32> to vector<8x128xi32>
    %max3A_108 = arith.maxsi %max3A_106, %slice3A_107 : vector<8x128xi32>
    %slice3A_109 = vector.extract_strided_slice %get3A_1 {offsets = [0, 7040], sizes = [8, 128], strides = [1, 1]} : vector<8x32768xi32> to vector<8x128xi32>
    %max3A_110 = arith.maxsi %max3A_108, %slice3A_109 : vector<8x128xi32>
    %slice3A_111 = vector.extract_strided_slice %get3A_1 {offsets = [0, 7168], sizes = [8, 128], strides = [1, 1]} : vector<8x32768xi32> to vector<8x128xi32>
    %max3A_112 = arith.maxsi %max3A_110, %slice3A_111 : vector<8x128xi32>
    %slice3A_113 = vector.extract_strided_slice %get3A_1 {offsets = [0, 7296], sizes = [8, 128], strides = [1, 1]} : vector<8x32768xi32> to vector<8x128xi32>
    %max3A_114 = arith.maxsi %max3A_112, %slice3A_113 : vector<8x128xi32>
    %slice3A_115 = vector.extract_strided_slice %get3A_1 {offsets = [0, 7424], sizes = [8, 128], strides = [1, 1]} : vector<8x32768xi32> to vector<8x128xi32>
    %max3A_116 = arith.maxsi %max3A_114, %slice3A_115 : vector<8x128xi32>
    %slice3A_117 = vector.extract_strided_slice %get3A_1 {offsets = [0, 7552], sizes = [8, 128], strides = [1, 1]} : vector<8x32768xi32> to vector<8x128xi32>
    %max3A_118 = arith.maxsi %max3A_116, %slice3A_117 : vector<8x128xi32>
    %slice3A_119 = vector.extract_strided_slice %get3A_1 {offsets = [0, 7680], sizes = [8, 128], strides = [1, 1]} : vector<8x32768xi32> to vector<8x128xi32>
    %max3A_120 = arith.maxsi %max3A_118, %slice3A_119 : vector<8x128xi32>
    %slice3A_121 = vector.extract_strided_slice %get3A_1 {offsets = [0, 7808], sizes = [8, 128], strides = [1, 1]} : vector<8x32768xi32> to vector<8x128xi32>
    %max3A_122 = arith.maxsi %max3A_120, %slice3A_121 : vector<8x128xi32>
    %slice3A_123 = vector.extract_strided_slice %get3A_1 {offsets = [0, 7936], sizes = [8, 128], strides = [1, 1]} : vector<8x32768xi32> to vector<8x128xi32>
    %max3A_124 = arith.maxsi %max3A_122, %slice3A_123 : vector<8x128xi32>
    %slice3A_125 = vector.extract_strided_slice %get3A_1 {offsets = [0, 8064], sizes = [8, 128], strides = [1, 1]} : vector<8x32768xi32> to vector<8x128xi32>
    %max3A_126 = arith.maxsi %max3A_124, %slice3A_125 : vector<8x128xi32>
    %slice3A_127 = vector.extract_strided_slice %get3A_1 {offsets = [0, 8192], sizes = [8, 128], strides = [1, 1]} : vector<8x32768xi32> to vector<8x128xi32>
    %max3A_128 = arith.maxsi %max3A_126, %slice3A_127 : vector<8x128xi32>
    %slice3A_129 = vector.extract_strided_slice %get3A_1 {offsets = [0, 8320], sizes = [8, 128], strides = [1, 1]} : vector<8x32768xi32> to vector<8x128xi32>
    %max3A_130 = arith.maxsi %max3A_128, %slice3A_129 : vector<8x128xi32>
    %slice3A_131 = vector.extract_strided_slice %get3A_1 {offsets = [0, 8448], sizes = [8, 128], strides = [1, 1]} : vector<8x32768xi32> to vector<8x128xi32>
    %max3A_132 = arith.maxsi %max3A_130, %slice3A_131 : vector<8x128xi32>
    %slice3A_133 = vector.extract_strided_slice %get3A_1 {offsets = [0, 8576], sizes = [8, 128], strides = [1, 1]} : vector<8x32768xi32> to vector<8x128xi32>
    %max3A_134 = arith.maxsi %max3A_132, %slice3A_133 : vector<8x128xi32>
    %slice3A_135 = vector.extract_strided_slice %get3A_1 {offsets = [0, 8704], sizes = [8, 128], strides = [1, 1]} : vector<8x32768xi32> to vector<8x128xi32>
    %max3A_136 = arith.maxsi %max3A_134, %slice3A_135 : vector<8x128xi32>
    %slice3A_137 = vector.extract_strided_slice %get3A_1 {offsets = [0, 8832], sizes = [8, 128], strides = [1, 1]} : vector<8x32768xi32> to vector<8x128xi32>
    %max3A_138 = arith.maxsi %max3A_136, %slice3A_137 : vector<8x128xi32>
    %slice3A_139 = vector.extract_strided_slice %get3A_1 {offsets = [0, 8960], sizes = [8, 128], strides = [1, 1]} : vector<8x32768xi32> to vector<8x128xi32>
    %max3A_140 = arith.maxsi %max3A_138, %slice3A_139 : vector<8x128xi32>
    %slice3A_141 = vector.extract_strided_slice %get3A_1 {offsets = [0, 9088], sizes = [8, 128], strides = [1, 1]} : vector<8x32768xi32> to vector<8x128xi32>
    %max3A_142 = arith.maxsi %max3A_140, %slice3A_141 : vector<8x128xi32>
    %slice3A_143 = vector.extract_strided_slice %get3A_1 {offsets = [0, 9216], sizes = [8, 128], strides = [1, 1]} : vector<8x32768xi32> to vector<8x128xi32>
    %max3A_144 = arith.maxsi %max3A_142, %slice3A_143 : vector<8x128xi32>
    %slice3A_145 = vector.extract_strided_slice %get3A_1 {offsets = [0, 9344], sizes = [8, 128], strides = [1, 1]} : vector<8x32768xi32> to vector<8x128xi32>
    %max3A_146 = arith.maxsi %max3A_144, %slice3A_145 : vector<8x128xi32>
    %slice3A_147 = vector.extract_strided_slice %get3A_1 {offsets = [0, 9472], sizes = [8, 128], strides = [1, 1]} : vector<8x32768xi32> to vector<8x128xi32>
    %max3A_148 = arith.maxsi %max3A_146, %slice3A_147 : vector<8x128xi32>
    %slice3A_149 = vector.extract_strided_slice %get3A_1 {offsets = [0, 9600], sizes = [8, 128], strides = [1, 1]} : vector<8x32768xi32> to vector<8x128xi32>
    %max3A_150 = arith.maxsi %max3A_148, %slice3A_149 : vector<8x128xi32>
    %slice3A_151 = vector.extract_strided_slice %get3A_1 {offsets = [0, 9728], sizes = [8, 128], strides = [1, 1]} : vector<8x32768xi32> to vector<8x128xi32>
    %max3A_152 = arith.maxsi %max3A_150, %slice3A_151 : vector<8x128xi32>
    %slice3A_153 = vector.extract_strided_slice %get3A_1 {offsets = [0, 9856], sizes = [8, 128], strides = [1, 1]} : vector<8x32768xi32> to vector<8x128xi32>
    %max3A_154 = arith.maxsi %max3A_152, %slice3A_153 : vector<8x128xi32>
    %slice3A_155 = vector.extract_strided_slice %get3A_1 {offsets = [0, 9984], sizes = [8, 128], strides = [1, 1]} : vector<8x32768xi32> to vector<8x128xi32>
    %max3A_156 = arith.maxsi %max3A_154, %slice3A_155 : vector<8x128xi32>
    %slice3A_157 = vector.extract_strided_slice %get3A_1 {offsets = [0, 10112], sizes = [8, 128], strides = [1, 1]} : vector<8x32768xi32> to vector<8x128xi32>
    %max3A_158 = arith.maxsi %max3A_156, %slice3A_157 : vector<8x128xi32>
    %slice3A_159 = vector.extract_strided_slice %get3A_1 {offsets = [0, 10240], sizes = [8, 128], strides = [1, 1]} : vector<8x32768xi32> to vector<8x128xi32>
    %max3A_160 = arith.maxsi %max3A_158, %slice3A_159 : vector<8x128xi32>
    %slice3A_161 = vector.extract_strided_slice %get3A_1 {offsets = [0, 10368], sizes = [8, 128], strides = [1, 1]} : vector<8x32768xi32> to vector<8x128xi32>
    %max3A_162 = arith.maxsi %max3A_160, %slice3A_161 : vector<8x128xi32>
    %slice3A_163 = vector.extract_strided_slice %get3A_1 {offsets = [0, 10496], sizes = [8, 128], strides = [1, 1]} : vector<8x32768xi32> to vector<8x128xi32>
    %max3A_164 = arith.maxsi %max3A_162, %slice3A_163 : vector<8x128xi32>
    %slice3A_165 = vector.extract_strided_slice %get3A_1 {offsets = [0, 10624], sizes = [8, 128], strides = [1, 1]} : vector<8x32768xi32> to vector<8x128xi32>
    %max3A_166 = arith.maxsi %max3A_164, %slice3A_165 : vector<8x128xi32>
    %slice3A_167 = vector.extract_strided_slice %get3A_1 {offsets = [0, 10752], sizes = [8, 128], strides = [1, 1]} : vector<8x32768xi32> to vector<8x128xi32>
    %max3A_168 = arith.maxsi %max3A_166, %slice3A_167 : vector<8x128xi32>
    %slice3A_169 = vector.extract_strided_slice %get3A_1 {offsets = [0, 10880], sizes = [8, 128], strides = [1, 1]} : vector<8x32768xi32> to vector<8x128xi32>
    %max3A_170 = arith.maxsi %max3A_168, %slice3A_169 : vector<8x128xi32>
    %slice3A_171 = vector.extract_strided_slice %get3A_1 {offsets = [0, 11008], sizes = [8, 128], strides = [1, 1]} : vector<8x32768xi32> to vector<8x128xi32>
    %max3A_172 = arith.maxsi %max3A_170, %slice3A_171 : vector<8x128xi32>
    %slice3A_173 = vector.extract_strided_slice %get3A_1 {offsets = [0, 11136], sizes = [8, 128], strides = [1, 1]} : vector<8x32768xi32> to vector<8x128xi32>
    %max3A_174 = arith.maxsi %max3A_172, %slice3A_173 : vector<8x128xi32>
    %slice3A_175 = vector.extract_strided_slice %get3A_1 {offsets = [0, 11264], sizes = [8, 128], strides = [1, 1]} : vector<8x32768xi32> to vector<8x128xi32>
    %max3A_176 = arith.maxsi %max3A_174, %slice3A_175 : vector<8x128xi32>
    %slice3A_177 = vector.extract_strided_slice %get3A_1 {offsets = [0, 11392], sizes = [8, 128], strides = [1, 1]} : vector<8x32768xi32> to vector<8x128xi32>
    %max3A_178 = arith.maxsi %max3A_176, %slice3A_177 : vector<8x128xi32>
    %slice3A_179 = vector.extract_strided_slice %get3A_1 {offsets = [0, 11520], sizes = [8, 128], strides = [1, 1]} : vector<8x32768xi32> to vector<8x128xi32>
    %max3A_180 = arith.maxsi %max3A_178, %slice3A_179 : vector<8x128xi32>
    %slice3A_181 = vector.extract_strided_slice %get3A_1 {offsets = [0, 11648], sizes = [8, 128], strides = [1, 1]} : vector<8x32768xi32> to vector<8x128xi32>
    %max3A_182 = arith.maxsi %max3A_180, %slice3A_181 : vector<8x128xi32>
    %slice3A_183 = vector.extract_strided_slice %get3A_1 {offsets = [0, 11776], sizes = [8, 128], strides = [1, 1]} : vector<8x32768xi32> to vector<8x128xi32>
    %max3A_184 = arith.maxsi %max3A_182, %slice3A_183 : vector<8x128xi32>
    %slice3A_185 = vector.extract_strided_slice %get3A_1 {offsets = [0, 11904], sizes = [8, 128], strides = [1, 1]} : vector<8x32768xi32> to vector<8x128xi32>
    %max3A_186 = arith.maxsi %max3A_184, %slice3A_185 : vector<8x128xi32>
    %slice3A_187 = vector.extract_strided_slice %get3A_1 {offsets = [0, 12032], sizes = [8, 128], strides = [1, 1]} : vector<8x32768xi32> to vector<8x128xi32>
    %max3A_188 = arith.maxsi %max3A_186, %slice3A_187 : vector<8x128xi32>
    %slice3A_189 = vector.extract_strided_slice %get3A_1 {offsets = [0, 12160], sizes = [8, 128], strides = [1, 1]} : vector<8x32768xi32> to vector<8x128xi32>
    %max3A_190 = arith.maxsi %max3A_188, %slice3A_189 : vector<8x128xi32>
    %slice3A_191 = vector.extract_strided_slice %get3A_1 {offsets = [0, 12288], sizes = [8, 128], strides = [1, 1]} : vector<8x32768xi32> to vector<8x128xi32>
    %max3A_192 = arith.maxsi %max3A_190, %slice3A_191 : vector<8x128xi32>
    %slice3A_193 = vector.extract_strided_slice %get3A_1 {offsets = [0, 12416], sizes = [8, 128], strides = [1, 1]} : vector<8x32768xi32> to vector<8x128xi32>
    %max3A_194 = arith.maxsi %max3A_192, %slice3A_193 : vector<8x128xi32>
    %slice3A_195 = vector.extract_strided_slice %get3A_1 {offsets = [0, 12544], sizes = [8, 128], strides = [1, 1]} : vector<8x32768xi32> to vector<8x128xi32>
    %max3A_196 = arith.maxsi %max3A_194, %slice3A_195 : vector<8x128xi32>
    %slice3A_197 = vector.extract_strided_slice %get3A_1 {offsets = [0, 12672], sizes = [8, 128], strides = [1, 1]} : vector<8x32768xi32> to vector<8x128xi32>
    %max3A_198 = arith.maxsi %max3A_196, %slice3A_197 : vector<8x128xi32>
    %slice3A_199 = vector.extract_strided_slice %get3A_1 {offsets = [0, 12800], sizes = [8, 128], strides = [1, 1]} : vector<8x32768xi32> to vector<8x128xi32>
    %max3A_200 = arith.maxsi %max3A_198, %slice3A_199 : vector<8x128xi32>
    %slice3A_201 = vector.extract_strided_slice %get3A_1 {offsets = [0, 12928], sizes = [8, 128], strides = [1, 1]} : vector<8x32768xi32> to vector<8x128xi32>
    %max3A_202 = arith.maxsi %max3A_200, %slice3A_201 : vector<8x128xi32>
    %slice3A_203 = vector.extract_strided_slice %get3A_1 {offsets = [0, 13056], sizes = [8, 128], strides = [1, 1]} : vector<8x32768xi32> to vector<8x128xi32>
    %max3A_204 = arith.maxsi %max3A_202, %slice3A_203 : vector<8x128xi32>
    %slice3A_205 = vector.extract_strided_slice %get3A_1 {offsets = [0, 13184], sizes = [8, 128], strides = [1, 1]} : vector<8x32768xi32> to vector<8x128xi32>
    %max3A_206 = arith.maxsi %max3A_204, %slice3A_205 : vector<8x128xi32>
    %slice3A_207 = vector.extract_strided_slice %get3A_1 {offsets = [0, 13312], sizes = [8, 128], strides = [1, 1]} : vector<8x32768xi32> to vector<8x128xi32>
    %max3A_208 = arith.maxsi %max3A_206, %slice3A_207 : vector<8x128xi32>
    %slice3A_209 = vector.extract_strided_slice %get3A_1 {offsets = [0, 13440], sizes = [8, 128], strides = [1, 1]} : vector<8x32768xi32> to vector<8x128xi32>
    %max3A_210 = arith.maxsi %max3A_208, %slice3A_209 : vector<8x128xi32>
    %slice3A_211 = vector.extract_strided_slice %get3A_1 {offsets = [0, 13568], sizes = [8, 128], strides = [1, 1]} : vector<8x32768xi32> to vector<8x128xi32>
    %max3A_212 = arith.maxsi %max3A_210, %slice3A_211 : vector<8x128xi32>
    %slice3A_213 = vector.extract_strided_slice %get3A_1 {offsets = [0, 13696], sizes = [8, 128], strides = [1, 1]} : vector<8x32768xi32> to vector<8x128xi32>
    %max3A_214 = arith.maxsi %max3A_212, %slice3A_213 : vector<8x128xi32>
    %slice3A_215 = vector.extract_strided_slice %get3A_1 {offsets = [0, 13824], sizes = [8, 128], strides = [1, 1]} : vector<8x32768xi32> to vector<8x128xi32>
    %max3A_216 = arith.maxsi %max3A_214, %slice3A_215 : vector<8x128xi32>
    %slice3A_217 = vector.extract_strided_slice %get3A_1 {offsets = [0, 13952], sizes = [8, 128], strides = [1, 1]} : vector<8x32768xi32> to vector<8x128xi32>
    %max3A_218 = arith.maxsi %max3A_216, %slice3A_217 : vector<8x128xi32>
    %slice3A_219 = vector.extract_strided_slice %get3A_1 {offsets = [0, 14080], sizes = [8, 128], strides = [1, 1]} : vector<8x32768xi32> to vector<8x128xi32>
    %max3A_220 = arith.maxsi %max3A_218, %slice3A_219 : vector<8x128xi32>
    %slice3A_221 = vector.extract_strided_slice %get3A_1 {offsets = [0, 14208], sizes = [8, 128], strides = [1, 1]} : vector<8x32768xi32> to vector<8x128xi32>
    %max3A_222 = arith.maxsi %max3A_220, %slice3A_221 : vector<8x128xi32>
    %slice3A_223 = vector.extract_strided_slice %get3A_1 {offsets = [0, 14336], sizes = [8, 128], strides = [1, 1]} : vector<8x32768xi32> to vector<8x128xi32>
    %max3A_224 = arith.maxsi %max3A_222, %slice3A_223 : vector<8x128xi32>
    %slice3A_225 = vector.extract_strided_slice %get3A_1 {offsets = [0, 14464], sizes = [8, 128], strides = [1, 1]} : vector<8x32768xi32> to vector<8x128xi32>
    %max3A_226 = arith.maxsi %max3A_224, %slice3A_225 : vector<8x128xi32>
    %slice3A_227 = vector.extract_strided_slice %get3A_1 {offsets = [0, 14592], sizes = [8, 128], strides = [1, 1]} : vector<8x32768xi32> to vector<8x128xi32>
    %max3A_228 = arith.maxsi %max3A_226, %slice3A_227 : vector<8x128xi32>
    %slice3A_229 = vector.extract_strided_slice %get3A_1 {offsets = [0, 14720], sizes = [8, 128], strides = [1, 1]} : vector<8x32768xi32> to vector<8x128xi32>
    %max3A_230 = arith.maxsi %max3A_228, %slice3A_229 : vector<8x128xi32>
    %slice3A_231 = vector.extract_strided_slice %get3A_1 {offsets = [0, 14848], sizes = [8, 128], strides = [1, 1]} : vector<8x32768xi32> to vector<8x128xi32>
    %max3A_232 = arith.maxsi %max3A_230, %slice3A_231 : vector<8x128xi32>
    %slice3A_233 = vector.extract_strided_slice %get3A_1 {offsets = [0, 14976], sizes = [8, 128], strides = [1, 1]} : vector<8x32768xi32> to vector<8x128xi32>
    %max3A_234 = arith.maxsi %max3A_232, %slice3A_233 : vector<8x128xi32>
    %slice3A_235 = vector.extract_strided_slice %get3A_1 {offsets = [0, 15104], sizes = [8, 128], strides = [1, 1]} : vector<8x32768xi32> to vector<8x128xi32>
    %max3A_236 = arith.maxsi %max3A_234, %slice3A_235 : vector<8x128xi32>
    %slice3A_237 = vector.extract_strided_slice %get3A_1 {offsets = [0, 15232], sizes = [8, 128], strides = [1, 1]} : vector<8x32768xi32> to vector<8x128xi32>
    %max3A_238 = arith.maxsi %max3A_236, %slice3A_237 : vector<8x128xi32>
    %slice3A_239 = vector.extract_strided_slice %get3A_1 {offsets = [0, 15360], sizes = [8, 128], strides = [1, 1]} : vector<8x32768xi32> to vector<8x128xi32>
    %max3A_240 = arith.maxsi %max3A_238, %slice3A_239 : vector<8x128xi32>
    %slice3A_241 = vector.extract_strided_slice %get3A_1 {offsets = [0, 15488], sizes = [8, 128], strides = [1, 1]} : vector<8x32768xi32> to vector<8x128xi32>
    %max3A_242 = arith.maxsi %max3A_240, %slice3A_241 : vector<8x128xi32>
    %slice3A_243 = vector.extract_strided_slice %get3A_1 {offsets = [0, 15616], sizes = [8, 128], strides = [1, 1]} : vector<8x32768xi32> to vector<8x128xi32>
    %max3A_244 = arith.maxsi %max3A_242, %slice3A_243 : vector<8x128xi32>
    %slice3A_245 = vector.extract_strided_slice %get3A_1 {offsets = [0, 15744], sizes = [8, 128], strides = [1, 1]} : vector<8x32768xi32> to vector<8x128xi32>
    %max3A_246 = arith.maxsi %max3A_244, %slice3A_245 : vector<8x128xi32>
    %slice3A_247 = vector.extract_strided_slice %get3A_1 {offsets = [0, 15872], sizes = [8, 128], strides = [1, 1]} : vector<8x32768xi32> to vector<8x128xi32>
    %max3A_248 = arith.maxsi %max3A_246, %slice3A_247 : vector<8x128xi32>
    %slice3A_249 = vector.extract_strided_slice %get3A_1 {offsets = [0, 16000], sizes = [8, 128], strides = [1, 1]} : vector<8x32768xi32> to vector<8x128xi32>
    %max3A_250 = arith.maxsi %max3A_248, %slice3A_249 : vector<8x128xi32>
    %slice3A_251 = vector.extract_strided_slice %get3A_1 {offsets = [0, 16128], sizes = [8, 128], strides = [1, 1]} : vector<8x32768xi32> to vector<8x128xi32>
    %max3A_252 = arith.maxsi %max3A_250, %slice3A_251 : vector<8x128xi32>
    %slice3A_253 = vector.extract_strided_slice %get3A_1 {offsets = [0, 16256], sizes = [8, 128], strides = [1, 1]} : vector<8x32768xi32> to vector<8x128xi32>
    %max3A_254 = arith.maxsi %max3A_252, %slice3A_253 : vector<8x128xi32>
    %slice3A_255 = vector.extract_strided_slice %get3A_1 {offsets = [0, 16384], sizes = [8, 128], strides = [1, 1]} : vector<8x32768xi32> to vector<8x128xi32>
    %max3A_256 = arith.maxsi %max3A_254, %slice3A_255 : vector<8x128xi32>
    %slice3A_257 = vector.extract_strided_slice %get3A_1 {offsets = [0, 16512], sizes = [8, 128], strides = [1, 1]} : vector<8x32768xi32> to vector<8x128xi32>
    %max3A_258 = arith.maxsi %max3A_256, %slice3A_257 : vector<8x128xi32>
    %slice3A_259 = vector.extract_strided_slice %get3A_1 {offsets = [0, 16640], sizes = [8, 128], strides = [1, 1]} : vector<8x32768xi32> to vector<8x128xi32>
    %max3A_260 = arith.maxsi %max3A_258, %slice3A_259 : vector<8x128xi32>
    %slice3A_261 = vector.extract_strided_slice %get3A_1 {offsets = [0, 16768], sizes = [8, 128], strides = [1, 1]} : vector<8x32768xi32> to vector<8x128xi32>
    %max3A_262 = arith.maxsi %max3A_260, %slice3A_261 : vector<8x128xi32>
    %slice3A_263 = vector.extract_strided_slice %get3A_1 {offsets = [0, 16896], sizes = [8, 128], strides = [1, 1]} : vector<8x32768xi32> to vector<8x128xi32>
    %max3A_264 = arith.maxsi %max3A_262, %slice3A_263 : vector<8x128xi32>
    %slice3A_265 = vector.extract_strided_slice %get3A_1 {offsets = [0, 17024], sizes = [8, 128], strides = [1, 1]} : vector<8x32768xi32> to vector<8x128xi32>
    %max3A_266 = arith.maxsi %max3A_264, %slice3A_265 : vector<8x128xi32>
    %slice3A_267 = vector.extract_strided_slice %get3A_1 {offsets = [0, 17152], sizes = [8, 128], strides = [1, 1]} : vector<8x32768xi32> to vector<8x128xi32>
    %max3A_268 = arith.maxsi %max3A_266, %slice3A_267 : vector<8x128xi32>
    %slice3A_269 = vector.extract_strided_slice %get3A_1 {offsets = [0, 17280], sizes = [8, 128], strides = [1, 1]} : vector<8x32768xi32> to vector<8x128xi32>
    %max3A_270 = arith.maxsi %max3A_268, %slice3A_269 : vector<8x128xi32>
    %slice3A_271 = vector.extract_strided_slice %get3A_1 {offsets = [0, 17408], sizes = [8, 128], strides = [1, 1]} : vector<8x32768xi32> to vector<8x128xi32>
    %max3A_272 = arith.maxsi %max3A_270, %slice3A_271 : vector<8x128xi32>
    %slice3A_273 = vector.extract_strided_slice %get3A_1 {offsets = [0, 17536], sizes = [8, 128], strides = [1, 1]} : vector<8x32768xi32> to vector<8x128xi32>
    %max3A_274 = arith.maxsi %max3A_272, %slice3A_273 : vector<8x128xi32>
    %slice3A_275 = vector.extract_strided_slice %get3A_1 {offsets = [0, 17664], sizes = [8, 128], strides = [1, 1]} : vector<8x32768xi32> to vector<8x128xi32>
    %max3A_276 = arith.maxsi %max3A_274, %slice3A_275 : vector<8x128xi32>
    %slice3A_277 = vector.extract_strided_slice %get3A_1 {offsets = [0, 17792], sizes = [8, 128], strides = [1, 1]} : vector<8x32768xi32> to vector<8x128xi32>
    %max3A_278 = arith.maxsi %max3A_276, %slice3A_277 : vector<8x128xi32>
    %slice3A_279 = vector.extract_strided_slice %get3A_1 {offsets = [0, 17920], sizes = [8, 128], strides = [1, 1]} : vector<8x32768xi32> to vector<8x128xi32>
    %max3A_280 = arith.maxsi %max3A_278, %slice3A_279 : vector<8x128xi32>
    %slice3A_281 = vector.extract_strided_slice %get3A_1 {offsets = [0, 18048], sizes = [8, 128], strides = [1, 1]} : vector<8x32768xi32> to vector<8x128xi32>
    %max3A_282 = arith.maxsi %max3A_280, %slice3A_281 : vector<8x128xi32>
    %slice3A_283 = vector.extract_strided_slice %get3A_1 {offsets = [0, 18176], sizes = [8, 128], strides = [1, 1]} : vector<8x32768xi32> to vector<8x128xi32>
    %max3A_284 = arith.maxsi %max3A_282, %slice3A_283 : vector<8x128xi32>
    %slice3A_285 = vector.extract_strided_slice %get3A_1 {offsets = [0, 18304], sizes = [8, 128], strides = [1, 1]} : vector<8x32768xi32> to vector<8x128xi32>
    %max3A_286 = arith.maxsi %max3A_284, %slice3A_285 : vector<8x128xi32>
    %slice3A_287 = vector.extract_strided_slice %get3A_1 {offsets = [0, 18432], sizes = [8, 128], strides = [1, 1]} : vector<8x32768xi32> to vector<8x128xi32>
    %max3A_288 = arith.maxsi %max3A_286, %slice3A_287 : vector<8x128xi32>
    %slice3A_289 = vector.extract_strided_slice %get3A_1 {offsets = [0, 18560], sizes = [8, 128], strides = [1, 1]} : vector<8x32768xi32> to vector<8x128xi32>
    %max3A_290 = arith.maxsi %max3A_288, %slice3A_289 : vector<8x128xi32>
    %slice3A_291 = vector.extract_strided_slice %get3A_1 {offsets = [0, 18688], sizes = [8, 128], strides = [1, 1]} : vector<8x32768xi32> to vector<8x128xi32>
    %max3A_292 = arith.maxsi %max3A_290, %slice3A_291 : vector<8x128xi32>
    %slice3A_293 = vector.extract_strided_slice %get3A_1 {offsets = [0, 18816], sizes = [8, 128], strides = [1, 1]} : vector<8x32768xi32> to vector<8x128xi32>
    %max3A_294 = arith.maxsi %max3A_292, %slice3A_293 : vector<8x128xi32>
    %slice3A_295 = vector.extract_strided_slice %get3A_1 {offsets = [0, 18944], sizes = [8, 128], strides = [1, 1]} : vector<8x32768xi32> to vector<8x128xi32>
    %max3A_296 = arith.maxsi %max3A_294, %slice3A_295 : vector<8x128xi32>
    %slice3A_297 = vector.extract_strided_slice %get3A_1 {offsets = [0, 19072], sizes = [8, 128], strides = [1, 1]} : vector<8x32768xi32> to vector<8x128xi32>
    %max3A_298 = arith.maxsi %max3A_296, %slice3A_297 : vector<8x128xi32>
    %slice3A_299 = vector.extract_strided_slice %get3A_1 {offsets = [0, 19200], sizes = [8, 128], strides = [1, 1]} : vector<8x32768xi32> to vector<8x128xi32>
    %max3A_300 = arith.maxsi %max3A_298, %slice3A_299 : vector<8x128xi32>
    %slice3A_301 = vector.extract_strided_slice %get3A_1 {offsets = [0, 19328], sizes = [8, 128], strides = [1, 1]} : vector<8x32768xi32> to vector<8x128xi32>
    %max3A_302 = arith.maxsi %max3A_300, %slice3A_301 : vector<8x128xi32>
    %slice3A_303 = vector.extract_strided_slice %get3A_1 {offsets = [0, 19456], sizes = [8, 128], strides = [1, 1]} : vector<8x32768xi32> to vector<8x128xi32>
    %max3A_304 = arith.maxsi %max3A_302, %slice3A_303 : vector<8x128xi32>
    %slice3A_305 = vector.extract_strided_slice %get3A_1 {offsets = [0, 19584], sizes = [8, 128], strides = [1, 1]} : vector<8x32768xi32> to vector<8x128xi32>
    %max3A_306 = arith.maxsi %max3A_304, %slice3A_305 : vector<8x128xi32>
    %slice3A_307 = vector.extract_strided_slice %get3A_1 {offsets = [0, 19712], sizes = [8, 128], strides = [1, 1]} : vector<8x32768xi32> to vector<8x128xi32>
    %max3A_308 = arith.maxsi %max3A_306, %slice3A_307 : vector<8x128xi32>
    %slice3A_309 = vector.extract_strided_slice %get3A_1 {offsets = [0, 19840], sizes = [8, 128], strides = [1, 1]} : vector<8x32768xi32> to vector<8x128xi32>
    %max3A_310 = arith.maxsi %max3A_308, %slice3A_309 : vector<8x128xi32>
    %slice3A_311 = vector.extract_strided_slice %get3A_1 {offsets = [0, 19968], sizes = [8, 128], strides = [1, 1]} : vector<8x32768xi32> to vector<8x128xi32>
    %max3A_312 = arith.maxsi %max3A_310, %slice3A_311 : vector<8x128xi32>
    %slice3A_313 = vector.extract_strided_slice %get3A_1 {offsets = [0, 20096], sizes = [8, 128], strides = [1, 1]} : vector<8x32768xi32> to vector<8x128xi32>
    %max3A_314 = arith.maxsi %max3A_312, %slice3A_313 : vector<8x128xi32>
    %slice3A_315 = vector.extract_strided_slice %get3A_1 {offsets = [0, 20224], sizes = [8, 128], strides = [1, 1]} : vector<8x32768xi32> to vector<8x128xi32>
    %max3A_316 = arith.maxsi %max3A_314, %slice3A_315 : vector<8x128xi32>
    %slice3A_317 = vector.extract_strided_slice %get3A_1 {offsets = [0, 20352], sizes = [8, 128], strides = [1, 1]} : vector<8x32768xi32> to vector<8x128xi32>
    %max3A_318 = arith.maxsi %max3A_316, %slice3A_317 : vector<8x128xi32>
    %slice3A_319 = vector.extract_strided_slice %get3A_1 {offsets = [0, 20480], sizes = [8, 128], strides = [1, 1]} : vector<8x32768xi32> to vector<8x128xi32>
    %max3A_320 = arith.maxsi %max3A_318, %slice3A_319 : vector<8x128xi32>
    %slice3A_321 = vector.extract_strided_slice %get3A_1 {offsets = [0, 20608], sizes = [8, 128], strides = [1, 1]} : vector<8x32768xi32> to vector<8x128xi32>
    %max3A_322 = arith.maxsi %max3A_320, %slice3A_321 : vector<8x128xi32>
    %slice3A_323 = vector.extract_strided_slice %get3A_1 {offsets = [0, 20736], sizes = [8, 128], strides = [1, 1]} : vector<8x32768xi32> to vector<8x128xi32>
    %max3A_324 = arith.maxsi %max3A_322, %slice3A_323 : vector<8x128xi32>
    %slice3A_325 = vector.extract_strided_slice %get3A_1 {offsets = [0, 20864], sizes = [8, 128], strides = [1, 1]} : vector<8x32768xi32> to vector<8x128xi32>
    %max3A_326 = arith.maxsi %max3A_324, %slice3A_325 : vector<8x128xi32>
    %slice3A_327 = vector.extract_strided_slice %get3A_1 {offsets = [0, 20992], sizes = [8, 128], strides = [1, 1]} : vector<8x32768xi32> to vector<8x128xi32>
    %max3A_328 = arith.maxsi %max3A_326, %slice3A_327 : vector<8x128xi32>
    %slice3A_329 = vector.extract_strided_slice %get3A_1 {offsets = [0, 21120], sizes = [8, 128], strides = [1, 1]} : vector<8x32768xi32> to vector<8x128xi32>
    %max3A_330 = arith.maxsi %max3A_328, %slice3A_329 : vector<8x128xi32>
    %slice3A_331 = vector.extract_strided_slice %get3A_1 {offsets = [0, 21248], sizes = [8, 128], strides = [1, 1]} : vector<8x32768xi32> to vector<8x128xi32>
    %max3A_332 = arith.maxsi %max3A_330, %slice3A_331 : vector<8x128xi32>
    %slice3A_333 = vector.extract_strided_slice %get3A_1 {offsets = [0, 21376], sizes = [8, 128], strides = [1, 1]} : vector<8x32768xi32> to vector<8x128xi32>
    %max3A_334 = arith.maxsi %max3A_332, %slice3A_333 : vector<8x128xi32>
    %slice3A_335 = vector.extract_strided_slice %get3A_1 {offsets = [0, 21504], sizes = [8, 128], strides = [1, 1]} : vector<8x32768xi32> to vector<8x128xi32>
    %max3A_336 = arith.maxsi %max3A_334, %slice3A_335 : vector<8x128xi32>
    %slice3A_337 = vector.extract_strided_slice %get3A_1 {offsets = [0, 21632], sizes = [8, 128], strides = [1, 1]} : vector<8x32768xi32> to vector<8x128xi32>
    %max3A_338 = arith.maxsi %max3A_336, %slice3A_337 : vector<8x128xi32>
    %slice3A_339 = vector.extract_strided_slice %get3A_1 {offsets = [0, 21760], sizes = [8, 128], strides = [1, 1]} : vector<8x32768xi32> to vector<8x128xi32>
    %max3A_340 = arith.maxsi %max3A_338, %slice3A_339 : vector<8x128xi32>
    %slice3A_341 = vector.extract_strided_slice %get3A_1 {offsets = [0, 21888], sizes = [8, 128], strides = [1, 1]} : vector<8x32768xi32> to vector<8x128xi32>
    %max3A_342 = arith.maxsi %max3A_340, %slice3A_341 : vector<8x128xi32>
    %slice3A_343 = vector.extract_strided_slice %get3A_1 {offsets = [0, 22016], sizes = [8, 128], strides = [1, 1]} : vector<8x32768xi32> to vector<8x128xi32>
    %max3A_344 = arith.maxsi %max3A_342, %slice3A_343 : vector<8x128xi32>
    %slice3A_345 = vector.extract_strided_slice %get3A_1 {offsets = [0, 22144], sizes = [8, 128], strides = [1, 1]} : vector<8x32768xi32> to vector<8x128xi32>
    %max3A_346 = arith.maxsi %max3A_344, %slice3A_345 : vector<8x128xi32>
    %slice3A_347 = vector.extract_strided_slice %get3A_1 {offsets = [0, 22272], sizes = [8, 128], strides = [1, 1]} : vector<8x32768xi32> to vector<8x128xi32>
    %max3A_348 = arith.maxsi %max3A_346, %slice3A_347 : vector<8x128xi32>
    %slice3A_349 = vector.extract_strided_slice %get3A_1 {offsets = [0, 22400], sizes = [8, 128], strides = [1, 1]} : vector<8x32768xi32> to vector<8x128xi32>
    %max3A_350 = arith.maxsi %max3A_348, %slice3A_349 : vector<8x128xi32>
    %slice3A_351 = vector.extract_strided_slice %get3A_1 {offsets = [0, 22528], sizes = [8, 128], strides = [1, 1]} : vector<8x32768xi32> to vector<8x128xi32>
    %max3A_352 = arith.maxsi %max3A_350, %slice3A_351 : vector<8x128xi32>
    %slice3A_353 = vector.extract_strided_slice %get3A_1 {offsets = [0, 22656], sizes = [8, 128], strides = [1, 1]} : vector<8x32768xi32> to vector<8x128xi32>
    %max3A_354 = arith.maxsi %max3A_352, %slice3A_353 : vector<8x128xi32>
    %slice3A_355 = vector.extract_strided_slice %get3A_1 {offsets = [0, 22784], sizes = [8, 128], strides = [1, 1]} : vector<8x32768xi32> to vector<8x128xi32>
    %max3A_356 = arith.maxsi %max3A_354, %slice3A_355 : vector<8x128xi32>
    %slice3A_357 = vector.extract_strided_slice %get3A_1 {offsets = [0, 22912], sizes = [8, 128], strides = [1, 1]} : vector<8x32768xi32> to vector<8x128xi32>
    %max3A_358 = arith.maxsi %max3A_356, %slice3A_357 : vector<8x128xi32>
    %slice3A_359 = vector.extract_strided_slice %get3A_1 {offsets = [0, 23040], sizes = [8, 128], strides = [1, 1]} : vector<8x32768xi32> to vector<8x128xi32>
    %max3A_360 = arith.maxsi %max3A_358, %slice3A_359 : vector<8x128xi32>
    %slice3A_361 = vector.extract_strided_slice %get3A_1 {offsets = [0, 23168], sizes = [8, 128], strides = [1, 1]} : vector<8x32768xi32> to vector<8x128xi32>
    %max3A_362 = arith.maxsi %max3A_360, %slice3A_361 : vector<8x128xi32>
    %slice3A_363 = vector.extract_strided_slice %get3A_1 {offsets = [0, 23296], sizes = [8, 128], strides = [1, 1]} : vector<8x32768xi32> to vector<8x128xi32>
    %max3A_364 = arith.maxsi %max3A_362, %slice3A_363 : vector<8x128xi32>
    %slice3A_365 = vector.extract_strided_slice %get3A_1 {offsets = [0, 23424], sizes = [8, 128], strides = [1, 1]} : vector<8x32768xi32> to vector<8x128xi32>
    %max3A_366 = arith.maxsi %max3A_364, %slice3A_365 : vector<8x128xi32>
    %slice3A_367 = vector.extract_strided_slice %get3A_1 {offsets = [0, 23552], sizes = [8, 128], strides = [1, 1]} : vector<8x32768xi32> to vector<8x128xi32>
    %max3A_368 = arith.maxsi %max3A_366, %slice3A_367 : vector<8x128xi32>
    %slice3A_369 = vector.extract_strided_slice %get3A_1 {offsets = [0, 23680], sizes = [8, 128], strides = [1, 1]} : vector<8x32768xi32> to vector<8x128xi32>
    %max3A_370 = arith.maxsi %max3A_368, %slice3A_369 : vector<8x128xi32>
    %slice3A_371 = vector.extract_strided_slice %get3A_1 {offsets = [0, 23808], sizes = [8, 128], strides = [1, 1]} : vector<8x32768xi32> to vector<8x128xi32>
    %max3A_372 = arith.maxsi %max3A_370, %slice3A_371 : vector<8x128xi32>
    %slice3A_373 = vector.extract_strided_slice %get3A_1 {offsets = [0, 23936], sizes = [8, 128], strides = [1, 1]} : vector<8x32768xi32> to vector<8x128xi32>
    %max3A_374 = arith.maxsi %max3A_372, %slice3A_373 : vector<8x128xi32>
    %slice3A_375 = vector.extract_strided_slice %get3A_1 {offsets = [0, 24064], sizes = [8, 128], strides = [1, 1]} : vector<8x32768xi32> to vector<8x128xi32>
    %max3A_376 = arith.maxsi %max3A_374, %slice3A_375 : vector<8x128xi32>
    %slice3A_377 = vector.extract_strided_slice %get3A_1 {offsets = [0, 24192], sizes = [8, 128], strides = [1, 1]} : vector<8x32768xi32> to vector<8x128xi32>
    %max3A_378 = arith.maxsi %max3A_376, %slice3A_377 : vector<8x128xi32>
    %slice3A_379 = vector.extract_strided_slice %get3A_1 {offsets = [0, 24320], sizes = [8, 128], strides = [1, 1]} : vector<8x32768xi32> to vector<8x128xi32>
    %max3A_380 = arith.maxsi %max3A_378, %slice3A_379 : vector<8x128xi32>
    %slice3A_381 = vector.extract_strided_slice %get3A_1 {offsets = [0, 24448], sizes = [8, 128], strides = [1, 1]} : vector<8x32768xi32> to vector<8x128xi32>
    %max3A_382 = arith.maxsi %max3A_380, %slice3A_381 : vector<8x128xi32>
    %slice3A_383 = vector.extract_strided_slice %get3A_1 {offsets = [0, 24576], sizes = [8, 128], strides = [1, 1]} : vector<8x32768xi32> to vector<8x128xi32>
    %max3A_384 = arith.maxsi %max3A_382, %slice3A_383 : vector<8x128xi32>
    %slice3A_385 = vector.extract_strided_slice %get3A_1 {offsets = [0, 24704], sizes = [8, 128], strides = [1, 1]} : vector<8x32768xi32> to vector<8x128xi32>
    %max3A_386 = arith.maxsi %max3A_384, %slice3A_385 : vector<8x128xi32>
    %slice3A_387 = vector.extract_strided_slice %get3A_1 {offsets = [0, 24832], sizes = [8, 128], strides = [1, 1]} : vector<8x32768xi32> to vector<8x128xi32>
    %max3A_388 = arith.maxsi %max3A_386, %slice3A_387 : vector<8x128xi32>
    %slice3A_389 = vector.extract_strided_slice %get3A_1 {offsets = [0, 24960], sizes = [8, 128], strides = [1, 1]} : vector<8x32768xi32> to vector<8x128xi32>
    %max3A_390 = arith.maxsi %max3A_388, %slice3A_389 : vector<8x128xi32>
    %slice3A_391 = vector.extract_strided_slice %get3A_1 {offsets = [0, 25088], sizes = [8, 128], strides = [1, 1]} : vector<8x32768xi32> to vector<8x128xi32>
    %max3A_392 = arith.maxsi %max3A_390, %slice3A_391 : vector<8x128xi32>
    %slice3A_393 = vector.extract_strided_slice %get3A_1 {offsets = [0, 25216], sizes = [8, 128], strides = [1, 1]} : vector<8x32768xi32> to vector<8x128xi32>
    %max3A_394 = arith.maxsi %max3A_392, %slice3A_393 : vector<8x128xi32>
    %slice3A_395 = vector.extract_strided_slice %get3A_1 {offsets = [0, 25344], sizes = [8, 128], strides = [1, 1]} : vector<8x32768xi32> to vector<8x128xi32>
    %max3A_396 = arith.maxsi %max3A_394, %slice3A_395 : vector<8x128xi32>
    %slice3A_397 = vector.extract_strided_slice %get3A_1 {offsets = [0, 25472], sizes = [8, 128], strides = [1, 1]} : vector<8x32768xi32> to vector<8x128xi32>
    %max3A_398 = arith.maxsi %max3A_396, %slice3A_397 : vector<8x128xi32>
    %slice3A_399 = vector.extract_strided_slice %get3A_1 {offsets = [0, 25600], sizes = [8, 128], strides = [1, 1]} : vector<8x32768xi32> to vector<8x128xi32>
    %max3A_400 = arith.maxsi %max3A_398, %slice3A_399 : vector<8x128xi32>
    %slice3A_401 = vector.extract_strided_slice %get3A_1 {offsets = [0, 25728], sizes = [8, 128], strides = [1, 1]} : vector<8x32768xi32> to vector<8x128xi32>
    %max3A_402 = arith.maxsi %max3A_400, %slice3A_401 : vector<8x128xi32>
    %slice3A_403 = vector.extract_strided_slice %get3A_1 {offsets = [0, 25856], sizes = [8, 128], strides = [1, 1]} : vector<8x32768xi32> to vector<8x128xi32>
    %max3A_404 = arith.maxsi %max3A_402, %slice3A_403 : vector<8x128xi32>
    %slice3A_405 = vector.extract_strided_slice %get3A_1 {offsets = [0, 25984], sizes = [8, 128], strides = [1, 1]} : vector<8x32768xi32> to vector<8x128xi32>
    %max3A_406 = arith.maxsi %max3A_404, %slice3A_405 : vector<8x128xi32>
    %slice3A_407 = vector.extract_strided_slice %get3A_1 {offsets = [0, 26112], sizes = [8, 128], strides = [1, 1]} : vector<8x32768xi32> to vector<8x128xi32>
    %max3A_408 = arith.maxsi %max3A_406, %slice3A_407 : vector<8x128xi32>
    %slice3A_409 = vector.extract_strided_slice %get3A_1 {offsets = [0, 26240], sizes = [8, 128], strides = [1, 1]} : vector<8x32768xi32> to vector<8x128xi32>
    %max3A_410 = arith.maxsi %max3A_408, %slice3A_409 : vector<8x128xi32>
    %slice3A_411 = vector.extract_strided_slice %get3A_1 {offsets = [0, 26368], sizes = [8, 128], strides = [1, 1]} : vector<8x32768xi32> to vector<8x128xi32>
    %max3A_412 = arith.maxsi %max3A_410, %slice3A_411 : vector<8x128xi32>
    %slice3A_413 = vector.extract_strided_slice %get3A_1 {offsets = [0, 26496], sizes = [8, 128], strides = [1, 1]} : vector<8x32768xi32> to vector<8x128xi32>
    %max3A_414 = arith.maxsi %max3A_412, %slice3A_413 : vector<8x128xi32>
    %slice3A_415 = vector.extract_strided_slice %get3A_1 {offsets = [0, 26624], sizes = [8, 128], strides = [1, 1]} : vector<8x32768xi32> to vector<8x128xi32>
    %max3A_416 = arith.maxsi %max3A_414, %slice3A_415 : vector<8x128xi32>
    %slice3A_417 = vector.extract_strided_slice %get3A_1 {offsets = [0, 26752], sizes = [8, 128], strides = [1, 1]} : vector<8x32768xi32> to vector<8x128xi32>
    %max3A_418 = arith.maxsi %max3A_416, %slice3A_417 : vector<8x128xi32>
    %slice3A_419 = vector.extract_strided_slice %get3A_1 {offsets = [0, 26880], sizes = [8, 128], strides = [1, 1]} : vector<8x32768xi32> to vector<8x128xi32>
    %max3A_420 = arith.maxsi %max3A_418, %slice3A_419 : vector<8x128xi32>
    %slice3A_421 = vector.extract_strided_slice %get3A_1 {offsets = [0, 27008], sizes = [8, 128], strides = [1, 1]} : vector<8x32768xi32> to vector<8x128xi32>
    %max3A_422 = arith.maxsi %max3A_420, %slice3A_421 : vector<8x128xi32>
    %slice3A_423 = vector.extract_strided_slice %get3A_1 {offsets = [0, 27136], sizes = [8, 128], strides = [1, 1]} : vector<8x32768xi32> to vector<8x128xi32>
    %max3A_424 = arith.maxsi %max3A_422, %slice3A_423 : vector<8x128xi32>
    %slice3A_425 = vector.extract_strided_slice %get3A_1 {offsets = [0, 27264], sizes = [8, 128], strides = [1, 1]} : vector<8x32768xi32> to vector<8x128xi32>
    %max3A_426 = arith.maxsi %max3A_424, %slice3A_425 : vector<8x128xi32>
    %slice3A_427 = vector.extract_strided_slice %get3A_1 {offsets = [0, 27392], sizes = [8, 128], strides = [1, 1]} : vector<8x32768xi32> to vector<8x128xi32>
    %max3A_428 = arith.maxsi %max3A_426, %slice3A_427 : vector<8x128xi32>
    %slice3A_429 = vector.extract_strided_slice %get3A_1 {offsets = [0, 27520], sizes = [8, 128], strides = [1, 1]} : vector<8x32768xi32> to vector<8x128xi32>
    %max3A_430 = arith.maxsi %max3A_428, %slice3A_429 : vector<8x128xi32>
    %slice3A_431 = vector.extract_strided_slice %get3A_1 {offsets = [0, 27648], sizes = [8, 128], strides = [1, 1]} : vector<8x32768xi32> to vector<8x128xi32>
    %max3A_432 = arith.maxsi %max3A_430, %slice3A_431 : vector<8x128xi32>
    %slice3A_433 = vector.extract_strided_slice %get3A_1 {offsets = [0, 27776], sizes = [8, 128], strides = [1, 1]} : vector<8x32768xi32> to vector<8x128xi32>
    %max3A_434 = arith.maxsi %max3A_432, %slice3A_433 : vector<8x128xi32>
    %slice3A_435 = vector.extract_strided_slice %get3A_1 {offsets = [0, 27904], sizes = [8, 128], strides = [1, 1]} : vector<8x32768xi32> to vector<8x128xi32>
    %max3A_436 = arith.maxsi %max3A_434, %slice3A_435 : vector<8x128xi32>
    %slice3A_437 = vector.extract_strided_slice %get3A_1 {offsets = [0, 28032], sizes = [8, 128], strides = [1, 1]} : vector<8x32768xi32> to vector<8x128xi32>
    %max3A_438 = arith.maxsi %max3A_436, %slice3A_437 : vector<8x128xi32>
    %slice3A_439 = vector.extract_strided_slice %get3A_1 {offsets = [0, 28160], sizes = [8, 128], strides = [1, 1]} : vector<8x32768xi32> to vector<8x128xi32>
    %max3A_440 = arith.maxsi %max3A_438, %slice3A_439 : vector<8x128xi32>
    %slice3A_441 = vector.extract_strided_slice %get3A_1 {offsets = [0, 28288], sizes = [8, 128], strides = [1, 1]} : vector<8x32768xi32> to vector<8x128xi32>
    %max3A_442 = arith.maxsi %max3A_440, %slice3A_441 : vector<8x128xi32>
    %slice3A_443 = vector.extract_strided_slice %get3A_1 {offsets = [0, 28416], sizes = [8, 128], strides = [1, 1]} : vector<8x32768xi32> to vector<8x128xi32>
    %max3A_444 = arith.maxsi %max3A_442, %slice3A_443 : vector<8x128xi32>
    %slice3A_445 = vector.extract_strided_slice %get3A_1 {offsets = [0, 28544], sizes = [8, 128], strides = [1, 1]} : vector<8x32768xi32> to vector<8x128xi32>
    %max3A_446 = arith.maxsi %max3A_444, %slice3A_445 : vector<8x128xi32>
    %slice3A_447 = vector.extract_strided_slice %get3A_1 {offsets = [0, 28672], sizes = [8, 128], strides = [1, 1]} : vector<8x32768xi32> to vector<8x128xi32>
    %max3A_448 = arith.maxsi %max3A_446, %slice3A_447 : vector<8x128xi32>
    %slice3A_449 = vector.extract_strided_slice %get3A_1 {offsets = [0, 28800], sizes = [8, 128], strides = [1, 1]} : vector<8x32768xi32> to vector<8x128xi32>
    %max3A_450 = arith.maxsi %max3A_448, %slice3A_449 : vector<8x128xi32>
    %slice3A_451 = vector.extract_strided_slice %get3A_1 {offsets = [0, 28928], sizes = [8, 128], strides = [1, 1]} : vector<8x32768xi32> to vector<8x128xi32>
    %max3A_452 = arith.maxsi %max3A_450, %slice3A_451 : vector<8x128xi32>
    %slice3A_453 = vector.extract_strided_slice %get3A_1 {offsets = [0, 29056], sizes = [8, 128], strides = [1, 1]} : vector<8x32768xi32> to vector<8x128xi32>
    %max3A_454 = arith.maxsi %max3A_452, %slice3A_453 : vector<8x128xi32>
    %slice3A_455 = vector.extract_strided_slice %get3A_1 {offsets = [0, 29184], sizes = [8, 128], strides = [1, 1]} : vector<8x32768xi32> to vector<8x128xi32>
    %max3A_456 = arith.maxsi %max3A_454, %slice3A_455 : vector<8x128xi32>
    %slice3A_457 = vector.extract_strided_slice %get3A_1 {offsets = [0, 29312], sizes = [8, 128], strides = [1, 1]} : vector<8x32768xi32> to vector<8x128xi32>
    %max3A_458 = arith.maxsi %max3A_456, %slice3A_457 : vector<8x128xi32>
    %slice3A_459 = vector.extract_strided_slice %get3A_1 {offsets = [0, 29440], sizes = [8, 128], strides = [1, 1]} : vector<8x32768xi32> to vector<8x128xi32>
    %max3A_460 = arith.maxsi %max3A_458, %slice3A_459 : vector<8x128xi32>
    %slice3A_461 = vector.extract_strided_slice %get3A_1 {offsets = [0, 29568], sizes = [8, 128], strides = [1, 1]} : vector<8x32768xi32> to vector<8x128xi32>
    %max3A_462 = arith.maxsi %max3A_460, %slice3A_461 : vector<8x128xi32>
    %slice3A_463 = vector.extract_strided_slice %get3A_1 {offsets = [0, 29696], sizes = [8, 128], strides = [1, 1]} : vector<8x32768xi32> to vector<8x128xi32>
    %max3A_464 = arith.maxsi %max3A_462, %slice3A_463 : vector<8x128xi32>
    %slice3A_465 = vector.extract_strided_slice %get3A_1 {offsets = [0, 29824], sizes = [8, 128], strides = [1, 1]} : vector<8x32768xi32> to vector<8x128xi32>
    %max3A_466 = arith.maxsi %max3A_464, %slice3A_465 : vector<8x128xi32>
    %slice3A_467 = vector.extract_strided_slice %get3A_1 {offsets = [0, 29952], sizes = [8, 128], strides = [1, 1]} : vector<8x32768xi32> to vector<8x128xi32>
    %max3A_468 = arith.maxsi %max3A_466, %slice3A_467 : vector<8x128xi32>
    %slice3A_469 = vector.extract_strided_slice %get3A_1 {offsets = [0, 30080], sizes = [8, 128], strides = [1, 1]} : vector<8x32768xi32> to vector<8x128xi32>
    %max3A_470 = arith.maxsi %max3A_468, %slice3A_469 : vector<8x128xi32>
    %slice3A_471 = vector.extract_strided_slice %get3A_1 {offsets = [0, 30208], sizes = [8, 128], strides = [1, 1]} : vector<8x32768xi32> to vector<8x128xi32>
    %max3A_472 = arith.maxsi %max3A_470, %slice3A_471 : vector<8x128xi32>
    %slice3A_473 = vector.extract_strided_slice %get3A_1 {offsets = [0, 30336], sizes = [8, 128], strides = [1, 1]} : vector<8x32768xi32> to vector<8x128xi32>
    %max3A_474 = arith.maxsi %max3A_472, %slice3A_473 : vector<8x128xi32>
    %slice3A_475 = vector.extract_strided_slice %get3A_1 {offsets = [0, 30464], sizes = [8, 128], strides = [1, 1]} : vector<8x32768xi32> to vector<8x128xi32>
    %max3A_476 = arith.maxsi %max3A_474, %slice3A_475 : vector<8x128xi32>
    %slice3A_477 = vector.extract_strided_slice %get3A_1 {offsets = [0, 30592], sizes = [8, 128], strides = [1, 1]} : vector<8x32768xi32> to vector<8x128xi32>
    %max3A_478 = arith.maxsi %max3A_476, %slice3A_477 : vector<8x128xi32>
    %slice3A_479 = vector.extract_strided_slice %get3A_1 {offsets = [0, 30720], sizes = [8, 128], strides = [1, 1]} : vector<8x32768xi32> to vector<8x128xi32>
    %max3A_480 = arith.maxsi %max3A_478, %slice3A_479 : vector<8x128xi32>
    %slice3A_481 = vector.extract_strided_slice %get3A_1 {offsets = [0, 30848], sizes = [8, 128], strides = [1, 1]} : vector<8x32768xi32> to vector<8x128xi32>
    %max3A_482 = arith.maxsi %max3A_480, %slice3A_481 : vector<8x128xi32>
    %slice3A_483 = vector.extract_strided_slice %get3A_1 {offsets = [0, 30976], sizes = [8, 128], strides = [1, 1]} : vector<8x32768xi32> to vector<8x128xi32>
    %max3A_484 = arith.maxsi %max3A_482, %slice3A_483 : vector<8x128xi32>
    %slice3A_485 = vector.extract_strided_slice %get3A_1 {offsets = [0, 31104], sizes = [8, 128], strides = [1, 1]} : vector<8x32768xi32> to vector<8x128xi32>
    %max3A_486 = arith.maxsi %max3A_484, %slice3A_485 : vector<8x128xi32>
    %slice3A_487 = vector.extract_strided_slice %get3A_1 {offsets = [0, 31232], sizes = [8, 128], strides = [1, 1]} : vector<8x32768xi32> to vector<8x128xi32>
    %max3A_488 = arith.maxsi %max3A_486, %slice3A_487 : vector<8x128xi32>
    %slice3A_489 = vector.extract_strided_slice %get3A_1 {offsets = [0, 31360], sizes = [8, 128], strides = [1, 1]} : vector<8x32768xi32> to vector<8x128xi32>
    %max3A_490 = arith.maxsi %max3A_488, %slice3A_489 : vector<8x128xi32>
    %slice3A_491 = vector.extract_strided_slice %get3A_1 {offsets = [0, 31488], sizes = [8, 128], strides = [1, 1]} : vector<8x32768xi32> to vector<8x128xi32>
    %max3A_492 = arith.maxsi %max3A_490, %slice3A_491 : vector<8x128xi32>
    %slice3A_493 = vector.extract_strided_slice %get3A_1 {offsets = [0, 31616], sizes = [8, 128], strides = [1, 1]} : vector<8x32768xi32> to vector<8x128xi32>
    %max3A_494 = arith.maxsi %max3A_492, %slice3A_493 : vector<8x128xi32>
    %slice3A_495 = vector.extract_strided_slice %get3A_1 {offsets = [0, 31744], sizes = [8, 128], strides = [1, 1]} : vector<8x32768xi32> to vector<8x128xi32>
    %max3A_496 = arith.maxsi %max3A_494, %slice3A_495 : vector<8x128xi32>
    %slice3A_497 = vector.extract_strided_slice %get3A_1 {offsets = [0, 31872], sizes = [8, 128], strides = [1, 1]} : vector<8x32768xi32> to vector<8x128xi32>
    %max3A_498 = arith.maxsi %max3A_496, %slice3A_497 : vector<8x128xi32>
    %slice3A_499 = vector.extract_strided_slice %get3A_1 {offsets = [0, 32000], sizes = [8, 128], strides = [1, 1]} : vector<8x32768xi32> to vector<8x128xi32>
    %max3A_500 = arith.maxsi %max3A_498, %slice3A_499 : vector<8x128xi32>
    %slice3A_501 = vector.extract_strided_slice %get3A_1 {offsets = [0, 32128], sizes = [8, 128], strides = [1, 1]} : vector<8x32768xi32> to vector<8x128xi32>
    %max3A_502 = arith.maxsi %max3A_500, %slice3A_501 : vector<8x128xi32>
    %slice3A_503 = vector.extract_strided_slice %get3A_1 {offsets = [0, 32256], sizes = [8, 128], strides = [1, 1]} : vector<8x32768xi32> to vector<8x128xi32>
    %max3A_504 = arith.maxsi %max3A_502, %slice3A_503 : vector<8x128xi32>
    %slice3A_505 = vector.extract_strided_slice %get3A_1 {offsets = [0, 32384], sizes = [8, 128], strides = [1, 1]} : vector<8x32768xi32> to vector<8x128xi32>
    %max3A_506 = arith.maxsi %max3A_504, %slice3A_505 : vector<8x128xi32>
    %slice3A_507 = vector.extract_strided_slice %get3A_1 {offsets = [0, 32512], sizes = [8, 128], strides = [1, 1]} : vector<8x32768xi32> to vector<8x128xi32>
    %max3A_508 = arith.maxsi %max3A_506, %slice3A_507 : vector<8x128xi32>
    %slice3A_509 = vector.extract_strided_slice %get3A_1 {offsets = [0, 32640], sizes = [8, 128], strides = [1, 1]} : vector<8x32768xi32> to vector<8x128xi32>
    %max3A_510 = arith.maxsi %max3A_508, %slice3A_509 : vector<8x128xi32>
    %reduce_max3A = arith.constant dense<-2147483648> : vector<8xi32>
    %reduce_max3A_511 = vector.multi_reduction <maxsi>, %max3A_510, %reduce_max3A [1] : vector<8x128xi32> to vector<8xi32>
    %broadcast_in_dim3A = vector.shape_cast %reduce_max3A_511 : vector<8xi32> to vector<8x1xi32>
    %reduce_min3A = arith.constant dense<2147483647> : vector<8xi32>
    %reduce_min3A_512 = vector.multi_reduction <minsi>, %max3A_510, %reduce_min3A [1] : vector<8x128xi32> to vector<8xi32>
    %broadcast_in_dim3A_513 = vector.shape_cast %reduce_min3A_512 : vector<8xi32> to vector<8x1xi32>
    %scan3A = arith.constant 6.400000e+01 : f32
    %scan3A_514 = arith.constant 0 : i32
    %scan3A_515 = arith.constant 32 : i32
    %scan3A_516 = arith.addi %scan3A_514, %scan3A_515 : i32
    %scan3A_517 = arith.constant 1 : i32
    %scan3A_518:2 = scf.for %scan3A_545 = %scan3A_514 to %scan3A_516 step %scan3A_517 iter_args(%scan3A_546 = %broadcast_in_dim3A_513, %scan3A_547 = %broadcast_in_dim3A) -> (vector<8x1xi32>, vector<8x1xi32>)  : i32 {
      %shift_right_arithmetic3A = arith.constant 1 : i32
      %shift_right_arithmetic3A_548 = vector.broadcast %shift_right_arithmetic3A : i32 to vector<8x1xi32>
      %shift_right_arithmetic3A_549 = arith.shrsi %scan3A_546, %shift_right_arithmetic3A_548 : vector<8x1xi32>
      %shift_right_arithmetic3A_550 = arith.constant 1 : i32
      %shift_right_arithmetic3A_551 = vector.broadcast %shift_right_arithmetic3A_550 : i32 to vector<8x1xi32>
      %shift_right_arithmetic3A_552 = arith.shrsi %scan3A_547, %shift_right_arithmetic3A_551 : vector<8x1xi32>
      %add3A = arith.addi %shift_right_arithmetic3A_549, %shift_right_arithmetic3A_552 : vector<8x1xi32>
      %and3A = arith.andi %scan3A_546, %scan3A_547 : vector<8x1xi32>
      %and3A_553 = arith.constant 1 : i32
      %and3A_554 = vector.broadcast %and3A_553 : i32 to vector<8x1xi32>
      %and3A_555 = arith.andi %and3A, %and3A_554 : vector<8x1xi32>
      %add3A_556 = arith.addi %add3A, %and3A_555 : vector<8x1xi32>
      %xor3A = arith.xori %scan3A_546, %scan3A_547 : vector<8x1xi32>
      %and3A_557 = arith.constant 1 : i32
      %and3A_558 = vector.broadcast %and3A_557 : i32 to vector<8x1xi32>
      %and3A_559 = arith.andi %xor3A, %and3A_558 : vector<8x1xi32>
      %add3A_560 = arith.addi %add3A_556, %and3A_559 : vector<8x1xi32>
      %ge3A_561 = vector.broadcast %add3A_560 : vector<8x1xi32> to vector<8x128xi32>
      %ge3A_562 = arith.cmpi sge, %max3A_510, %ge3A_561 : vector<8x128xi32>
      %jit3A_563 = arith.constant 1.000000e+00 : f32
      %jit3A_564 = arith.constant 0.000000e+00 : f32
      %broadcast_in_dim3A_565 = vector.broadcast %jit3A_563 : f32 to vector<8x128xf32>
      %broadcast_in_dim3A_566 = vector.broadcast %jit3A_564 : f32 to vector<8x128xf32>
      %select_n3A_567 = arith.select %ge3A_562, %broadcast_in_dim3A_565, %broadcast_in_dim3A_566 : vector<8x128xi1>, vector<8x128xf32>
      %reduce_sum3A_568 = arith.constant dense<0.000000e+00> : vector<8xf32>
      %reduce_sum3A_569 = vector.multi_reduction <add>, %select_n3A_567, %reduce_sum3A_568 [1] : vector<8x128xf32> to vector<8xf32>
      %broadcast_in_dim3A_570 = vector.shape_cast %reduce_sum3A_569 : vector<8xf32> to vector<8x1xf32>
      %ge3A_571 = vector.broadcast %scan3A : f32 to vector<8x1xf32>
      %ge3A_572 = arith.cmpf oge, %broadcast_in_dim3A_570, %ge3A_571 : vector<8x1xf32>
      %select_n3A_573 = arith.select %ge3A_572, %add3A_560, %scan3A_546 : vector<8x1xi1>, vector<8x1xi32>
      %sub3A = arith.constant 1 : i32
      %sub3A_574 = vector.broadcast %sub3A : i32 to vector<8x1xi32>
      %sub3A_575 = arith.subi %add3A_560, %sub3A_574 : vector<8x1xi32>
      %select_n3A_576 = arith.select %ge3A_572, %scan3A_547, %sub3A_575 : vector<8x1xi1>, vector<8x1xi32>
      scf.yield %select_n3A_573, %select_n3A_576 : vector<8x1xi32>, vector<8x1xi32>
    }
    %while3A = arith.constant 6.400000e+01 : f32
    %while3A_519:2 = scf.while (%while3A_545 = %scan3A_518#0, %while3A_546 = %broadcast_in_dim3A) : (vector<8x1xi32>, vector<8x1xi32>) -> (vector<8x1xi32>, vector<8x1xi32>) {
      %lt3A = arith.cmpi slt, %while3A_545, %while3A_546 : vector<8x1xi32>
      %reduce_or3A_547 = arith.constant 1.000000e+00 : f32
      %reduce_or3A_548 = arith.constant 0.000000e+00 : f32
      %reduce_or3A_549 = vector.broadcast %reduce_or3A_547 : f32 to vector<8x1xf32>
      %reduce_or3A_550 = vector.broadcast %reduce_or3A_548 : f32 to vector<8x1xf32>
      %reduce_or3A_551 = arith.select %lt3A, %reduce_or3A_549, %reduce_or3A_550 : vector<8x1xi1>, vector<8x1xf32>
      %reduce_or3A_552 = vector.shape_cast %reduce_or3A_551 : vector<8x1xf32> to vector<1x8x1xf32>
      %reduce_or3A_553 = arith.constant dense<0xFF800000> : vector<1xf32>
      %reduce_or3A_554 = vector.multi_reduction <maximumf>, %reduce_or3A_552, %reduce_or3A_553 [1, 2] : vector<1x8x1xf32> to vector<1xf32>
      %reduce_or3A_555 = vector.shape_cast %reduce_or3A_554 : vector<1xf32> to vector<1x1x1xf32>
      %reduce_or3A_556 = vector.extract %reduce_or3A_555[0, 0, 0] : f32 from vector<1x1x1xf32>
      %reduce_or3A_557 = arith.constant 0.000000e+00 : f32
      %reduce_or3A_558 = arith.cmpf ogt, %reduce_or3A_556, %reduce_or3A_557 : f32
      scf.condition(%reduce_or3A_558) %while3A_545, %while3A_546 : vector<8x1xi32>, vector<8x1xi32>
    } do {
    ^bb0(%while3A_545: vector<8x1xi32>, %while3A_546: vector<8x1xi32>):
      %shift_right_arithmetic3A = arith.constant 1 : i32
      %shift_right_arithmetic3A_547 = vector.broadcast %shift_right_arithmetic3A : i32 to vector<8x1xi32>
      %shift_right_arithmetic3A_548 = arith.shrsi %while3A_545, %shift_right_arithmetic3A_547 : vector<8x1xi32>
      %shift_right_arithmetic3A_549 = arith.constant 1 : i32
      %shift_right_arithmetic3A_550 = vector.broadcast %shift_right_arithmetic3A_549 : i32 to vector<8x1xi32>
      %shift_right_arithmetic3A_551 = arith.shrsi %while3A_546, %shift_right_arithmetic3A_550 : vector<8x1xi32>
      %add3A = arith.addi %shift_right_arithmetic3A_548, %shift_right_arithmetic3A_551 : vector<8x1xi32>
      %and3A = arith.andi %while3A_545, %while3A_546 : vector<8x1xi32>
      %and3A_552 = arith.constant 1 : i32
      %and3A_553 = vector.broadcast %and3A_552 : i32 to vector<8x1xi32>
      %and3A_554 = arith.andi %and3A, %and3A_553 : vector<8x1xi32>
      %add3A_555 = arith.addi %add3A, %and3A_554 : vector<8x1xi32>
      %xor3A = arith.xori %while3A_545, %while3A_546 : vector<8x1xi32>
      %and3A_556 = arith.constant 1 : i32
      %and3A_557 = vector.broadcast %and3A_556 : i32 to vector<8x1xi32>
      %and3A_558 = arith.andi %xor3A, %and3A_557 : vector<8x1xi32>
      %add3A_559 = arith.addi %add3A_555, %and3A_558 : vector<8x1xi32>
      %get3A_560 = arith.constant 0 : index
      %get3A_561 = arith.constant 0 : index
      %get3A_562 = vector.load %arg1[%get3A_560, %get3A_561] : memref<8x32768xi32, #tpu.memory_space<vmem>>, vector<8x32768xi32>
      %ge3A_563 = vector.broadcast %add3A_559 : vector<8x1xi32> to vector<8x32768xi32>
      %ge3A_564 = arith.cmpi sge, %get3A_562, %ge3A_563 : vector<8x32768xi32>
      %jit3A_565 = arith.constant 1.000000e+00 : f32
      %jit3A_566 = arith.constant 0.000000e+00 : f32
      %broadcast_in_dim3A_567 = vector.broadcast %jit3A_565 : f32 to vector<8x32768xf32>
      %broadcast_in_dim3A_568 = vector.broadcast %jit3A_566 : f32 to vector<8x32768xf32>
      %select_n3A_569 = arith.select %ge3A_564, %broadcast_in_dim3A_567, %broadcast_in_dim3A_568 : vector<8x32768xi1>, vector<8x32768xf32>
      %reduce_sum3A_570 = arith.constant dense<0.000000e+00> : vector<8xf32>
      %reduce_sum3A_571 = vector.multi_reduction <add>, %select_n3A_569, %reduce_sum3A_570 [1] : vector<8x32768xf32> to vector<8xf32>
      %broadcast_in_dim3A_572 = vector.shape_cast %reduce_sum3A_571 : vector<8xf32> to vector<8x1xf32>
      %ge3A_573 = vector.broadcast %while3A : f32 to vector<8x1xf32>
      %ge3A_574 = arith.cmpf oge, %broadcast_in_dim3A_572, %ge3A_573 : vector<8x1xf32>
      %select_n3A_575 = arith.select %ge3A_574, %add3A_559, %while3A_545 : vector<8x1xi1>, vector<8x1xi32>
      %sub3A = arith.constant 1 : i32
      %sub3A_576 = vector.broadcast %sub3A : i32 to vector<8x1xi32>
      %sub3A_577 = arith.subi %add3A_559, %sub3A_576 : vector<8x1xi32>
      %select_n3A_578 = arith.select %ge3A_574, %while3A_546, %sub3A_577 : vector<8x1xi1>, vector<8x1xi32>
      scf.yield %select_n3A_575, %select_n3A_578 : vector<8x1xi32>, vector<8x1xi32>
    }
    %ge3A = vector.broadcast %while3A_519#0 : vector<8x1xi32> to vector<8x32768xi32>
    %ge3A_520 = arith.cmpi sge, %get3A_1, %ge3A : vector<8x32768xi32>
    %jit3A = arith.constant 1.000000e+00 : f32
    %jit3A_521 = arith.constant 0.000000e+00 : f32
    %broadcast_in_dim3A_522 = vector.broadcast %jit3A : f32 to vector<8x32768xf32>
    %broadcast_in_dim3A_523 = vector.broadcast %jit3A_521 : f32 to vector<8x32768xf32>
    %select_n3A = arith.select %ge3A_520, %broadcast_in_dim3A_522, %broadcast_in_dim3A_523 : vector<8x32768xi1>, vector<8x32768xf32>
    %reduce_sum3A = arith.constant dense<0.000000e+00> : vector<8xf32>
    %reduce_sum3A_524 = vector.multi_reduction <add>, %select_n3A, %reduce_sum3A [1] : vector<8x32768xf32> to vector<8xf32>
    %broadcast_in_dim3A_525 = vector.shape_cast %reduce_sum3A_524 : vector<8xf32> to vector<8x1xf32>
    %gt3A = arith.constant 6.400000e+01 : f32
    %gt3A_526 = vector.broadcast %gt3A : f32 to vector<8x1xf32>
    %gt3A_527 = arith.cmpf ogt, %broadcast_in_dim3A_525, %gt3A_526 : vector<8x1xf32>
    %reduce_or3A = arith.constant 1.000000e+00 : f32
    %reduce_or3A_528 = arith.constant 0.000000e+00 : f32
    %reduce_or3A_529 = vector.broadcast %reduce_or3A : f32 to vector<8x1xf32>
    %reduce_or3A_530 = vector.broadcast %reduce_or3A_528 : f32 to vector<8x1xf32>
    %reduce_or3A_531 = arith.select %gt3A_527, %reduce_or3A_529, %reduce_or3A_530 : vector<8x1xi1>, vector<8x1xf32>
    %reduce_or3A_532 = vector.shape_cast %reduce_or3A_531 : vector<8x1xf32> to vector<1x8x1xf32>
    %reduce_or3A_533 = arith.constant dense<0xFF800000> : vector<1xf32>
    %reduce_or3A_534 = vector.multi_reduction <maximumf>, %reduce_or3A_532, %reduce_or3A_533 [1, 2] : vector<1x8x1xf32> to vector<1xf32>
    %reduce_or3A_535 = vector.shape_cast %reduce_or3A_534 : vector<1xf32> to vector<1x1x1xf32>
    %reduce_or3A_536 = vector.extract %reduce_or3A_535[0, 0, 0] : f32 from vector<1x1x1xf32>
    %reduce_or3A_537 = arith.constant 0.000000e+00 : f32
    %reduce_or3A_538 = arith.cmpf ogt, %reduce_or3A_536, %reduce_or3A_537 : f32
    %iota3A = tpu.iota {dimensions = array<i32: 1>} : vector<8x128xi32>
    %not3A = arith.constant true
    %not3A_539 = arith.xori %reduce_or3A_538, %not3A : i1
    %convert_element_type3A = arith.extui %not3A_539 : i1 to i32
    %cond3A = arith.constant 0 : i32
    %cond3A_540 = arith.cmpi ne, %convert_element_type3A, %cond3A : i32
    scf.if %cond3A_540 {
      %eq3A = arith.constant 0 : i32
      %eq3A_545 = vector.broadcast %eq3A : i32 to vector<8x128xi32>
      %eq3A_546 = arith.cmpi eq, %iota3A, %eq3A_545 : vector<8x128xi32>
      %eq3A_547 = arith.constant 1 : i32
      %eq3A_548 = vector.broadcast %eq3A_547 : i32 to vector<8x128xi32>
      %eq3A_549 = arith.cmpi eq, %iota3A, %eq3A_548 : vector<8x128xi32>
      %jit3A_550 = arith.constant 32767 : i32
      %jit3A_551 = arith.constant 0 : i32
      %broadcast_in_dim3A_552 = vector.broadcast %jit3A_550 : i32 to vector<8x128xi32>
      %broadcast_in_dim3A_553 = vector.broadcast %jit3A_551 : i32 to vector<8x128xi32>
      %select_n3A_554 = arith.select %eq3A_549, %broadcast_in_dim3A_552, %broadcast_in_dim3A_553 : vector<8x128xi1>, vector<8x128xi32>
      %broadcast_in_dim3A_555 = vector.shape_cast %while3A_519#0 : vector<8x1xi32> to vector<8x1xi32>
      %broadcast_in_dim3A_556 = vector.broadcast %broadcast_in_dim3A_555 : vector<8x1xi32> to vector<8x128xi32>
      %select_n3A_557 = arith.select %eq3A_546, %broadcast_in_dim3A_556, %select_n3A_554 : vector<8x128xi1>, vector<8x128xi32>
      %swap3A = arith.constant 0 : index
      %swap3A_558 = arith.constant 0 : index
      %swap3A_559 = vector.load %arg2[%swap3A, %swap3A_558] : memref<8x128xi32, #tpu.memory_space<vmem>>, vector<8x128xi32>
      tpu.vector_store %arg2[%swap3A, %swap3A_558], %select_n3A_557 {strides = array<i32>} : memref<8x128xi32, #tpu.memory_space<vmem>>, vector<8x128xi32>,
    } else {
    }
    %convert_element_type3A_541 = arith.extui %reduce_or3A_538 : i1 to i32
    %cond3A_542 = arith.constant 6.400000e+01 : f32
    %cond3A_543 = arith.constant 0 : i32
    %cond3A_544 = arith.cmpi ne, %convert_element_type3A_541, %cond3A_543 : i32
    scf.if %cond3A_544 {
      %iota3A_545 = tpu.iota {dimensions = array<i32: 1>} : vector<8x32768xi32>
      %gt3A_546 = vector.broadcast %while3A_519#0 : vector<8x1xi32> to vector<8x32768xi32>
      %gt3A_547 = arith.cmpi sgt, %get3A_1, %gt3A_546 : vector<8x32768xi32>
      %jit3A_548 = arith.constant 1.000000e+00 : f32
      %jit3A_549 = arith.constant 0.000000e+00 : f32
      %broadcast_in_dim3A_550 = vector.broadcast %jit3A_548 : f32 to vector<8x32768xf32>
      %broadcast_in_dim3A_551 = vector.broadcast %jit3A_549 : f32 to vector<8x32768xf32>
      %select_n3A_552 = arith.select %gt3A_547, %broadcast_in_dim3A_550, %broadcast_in_dim3A_551 : vector<8x32768xi1>, vector<8x32768xf32>
      %reduce_sum3A_553 = arith.constant dense<0.000000e+00> : vector<8xf32>
      %reduce_sum3A_554 = vector.multi_reduction <add>, %select_n3A_552, %reduce_sum3A_553 [1] : vector<8x32768xf32> to vector<8xf32>
      %broadcast_in_dim3A_555 = vector.shape_cast %reduce_sum3A_554 : vector<8xf32> to vector<8x1xf32>
      %sub3A = vector.broadcast %cond3A_542 : f32 to vector<8x1xf32>
      %sub3A_556 = arith.subf %sub3A, %broadcast_in_dim3A_555 : vector<8x1xf32>
      %eq3A = vector.broadcast %while3A_519#0 : vector<8x1xi32> to vector<8x32768xi32>
      %eq3A_557 = arith.cmpi eq, %get3A_1, %eq3A : vector<8x32768xi32>
      %broadcast_in_dim3A_558 = arith.constant 0 : i32
      %broadcast_in_dim3A_559 = vector.broadcast %broadcast_in_dim3A_558 : i32 to vector<8x1xi32>
      %broadcast_in_dim3A_560 = arith.constant 32767 : i32
      %broadcast_in_dim3A_561 = vector.broadcast %broadcast_in_dim3A_560 : i32 to vector<8x1xi32>
      %scan3A_562 = arith.constant 0 : i32
      %scan3A_563 = arith.constant 15 : i32
      %scan3A_564 = arith.addi %scan3A_562, %scan3A_563 : i32
      %scan3A_565 = arith.constant 1 : i32
      %scan3A_566:2 = scf.for %scan3A_583 = %scan3A_562 to %scan3A_564 step %scan3A_565 iter_args(%scan3A_584 = %broadcast_in_dim3A_559, %scan3A_585 = %broadcast_in_dim3A_561) -> (vector<8x1xi32>, vector<8x1xi32>)  : i32 {
        %add3A = arith.addi %scan3A_584, %scan3A_585 : vector<8x1xi32>
        %shift_right_arithmetic3A = arith.constant 1 : i32
        %shift_right_arithmetic3A_586 = vector.broadcast %shift_right_arithmetic3A : i32 to vector<8x1xi32>
        %shift_right_arithmetic3A_587 = arith.shrsi %add3A, %shift_right_arithmetic3A_586 : vector<8x1xi32>
        %le3A = vector.broadcast %shift_right_arithmetic3A_587 : vector<8x1xi32> to vector<8x32768xi32>
        %le3A_588 = arith.cmpi sle, %iota3A_545, %le3A : vector<8x32768xi32>
        %and3A = arith.andi %eq3A_557, %le3A_588 : vector<8x32768xi1>
        %jit3A_589 = arith.constant 1.000000e+00 : f32
        %jit3A_590 = arith.constant 0.000000e+00 : f32
        %broadcast_in_dim3A_591 = vector.broadcast %jit3A_589 : f32 to vector<8x32768xf32>
        %broadcast_in_dim3A_592 = vector.broadcast %jit3A_590 : f32 to vector<8x32768xf32>
        %select_n3A_593 = arith.select %and3A, %broadcast_in_dim3A_591, %broadcast_in_dim3A_592 : vector<8x32768xi1>, vector<8x32768xf32>
        %reduce_sum3A_594 = arith.constant dense<0.000000e+00> : vector<8xf32>
        %reduce_sum3A_595 = vector.multi_reduction <add>, %select_n3A_593, %reduce_sum3A_594 [1] : vector<8x32768xf32> to vector<8xf32>
        %broadcast_in_dim3A_596 = vector.shape_cast %reduce_sum3A_595 : vector<8xf32> to vector<8x1xf32>
        %ge3A_597 = arith.cmpf oge, %broadcast_in_dim3A_596, %sub3A_556 : vector<8x1xf32>
        %add3A_598 = arith.constant 1 : i32
        %add3A_599 = vector.broadcast %add3A_598 : i32 to vector<8x1xi32>
        %add3A_600 = arith.addi %shift_right_arithmetic3A_587, %add3A_599 : vector<8x1xi32>
        %select_n3A_601 = arith.select %ge3A_597, %scan3A_584, %add3A_600 : vector<8x1xi1>, vector<8x1xi32>
        %select_n3A_602 = arith.select %ge3A_597, %shift_right_arithmetic3A_587, %scan3A_585 : vector<8x1xi1>, vector<8x1xi32>
        scf.yield %select_n3A_601, %select_n3A_602 : vector<8x1xi32>, vector<8x1xi32>
      }
      %eq3A_567 = arith.constant 0 : i32
      %eq3A_568 = vector.broadcast %eq3A_567 : i32 to vector<8x128xi32>
      %eq3A_569 = arith.cmpi eq, %iota3A, %eq3A_568 : vector<8x128xi32>
      %eq3A_570 = arith.constant 1 : i32
      %eq3A_571 = vector.broadcast %eq3A_570 : i32 to vector<8x128xi32>
      %eq3A_572 = arith.cmpi eq, %iota3A, %eq3A_571 : vector<8x128xi32>
      %jit3A_573 = arith.constant 0 : i32
      %broadcast_in_dim3A_574 = vector.shape_cast %scan3A_566#0 : vector<8x1xi32> to vector<8x1xi32>
      %broadcast_in_dim3A_575 = vector.broadcast %broadcast_in_dim3A_574 : vector<8x1xi32> to vector<8x128xi32>
      %broadcast_in_dim3A_576 = vector.broadcast %jit3A_573 : i32 to vector<8x128xi32>
      %select_n3A_577 = arith.select %eq3A_572, %broadcast_in_dim3A_575, %broadcast_in_dim3A_576 : vector<8x128xi1>, vector<8x128xi32>
      %broadcast_in_dim3A_578 = vector.shape_cast %while3A_519#0 : vector<8x1xi32> to vector<8x1xi32>
      %broadcast_in_dim3A_579 = vector.broadcast %broadcast_in_dim3A_578 : vector<8x1xi32> to vector<8x128xi32>
      %select_n3A_580 = arith.select %eq3A_569, %broadcast_in_dim3A_579, %select_n3A_577 : vector<8x128xi1>, vector<8x128xi32>
      %swap3A = arith.constant 0 : index
      %swap3A_581 = arith.constant 0 : index
      %swap3A_582 = vector.load %arg2[%swap3A, %swap3A_581] : memref<8x128xi32, #tpu.memory_space<vmem>>, vector<8x128xi32>
      tpu.vector_store %arg2[%swap3A, %swap3A_581], %select_n3A_580 {strides = array<i32>} : memref<8x128xi32, #tpu.memory_space<vmem>>, vector<8x128xi32>,
    } else {
    }
    return
  }
  func.func @transform_0(%arg0: i32) -> (i32, i32) {
    %c0_i32 = arith.constant 0 : i32
    %c0_i32_0 = arith.constant 0 : i32
    return %arg0, %c0_i32 : i32, i32
  }
  func.func @transform_1(%arg0: i32) -> (i32, i32) {
    %c0_i32 = arith.constant 0 : i32
    %c0_i32_0 = arith.constant 0 : i32
    return %arg0, %c0_i32 : i32, i32
  }
}

module attributes {stable_mosaic.version = 14 : i64} {
  func.func @_order_kernel(%arg0: memref<256x128xf32, #tpu.memory_space<vmem>>, %arg1: memref<8x64xi32, #tpu.memory_space<vmem>>, %arg2: memref<256x128xf32, #tpu.memory_space<vmem>>) attributes {dimension_semantics = [], scalar_prefetch = 0 : i64, scratch_operands = 1 : i64, tpu.core_type = #tpu.core_type<tc>} {
    %get3A = arith.constant 0 : index
    %get3A_0 = arith.constant 0 : index
    %get3A_1 = vector.load %arg0[%get3A, %get3A_0] : memref<256x128xf32, #tpu.memory_space<vmem>>, vector<256x128xf32>
    %swap3A = arith.constant 0 : index
    %swap3A_2 = arith.constant 0 : index
    %swap3A_3 = vector.load %arg2[%swap3A, %swap3A_2] : memref<256x128xf32, #tpu.memory_space<vmem>>, vector<256x128xf32>
    tpu.vector_store %arg2[%swap3A, %swap3A_2], %get3A_1 {strides = array<i32>} : memref<256x128xf32, #tpu.memory_space<vmem>>, vector<256x128xf32>,
    %iota3A = tpu.iota {dimensions = array<i32: 0>} : vector<256x1xi32>
    %iota3A_4 = tpu.iota {dimensions = array<i32: 1>} : vector<1x128xi32>
    %iota3A_5 = tpu.iota {dimensions = array<i32: 1>} : vector<8x64xi32>
    %broadcast_in_dim3A = arith.constant 0 : i32
    %broadcast_in_dim3A_6 = vector.broadcast %broadcast_in_dim3A : i32 to vector<8x64xi32>
    %swap3A_7 = arith.constant 0 : index
    %swap3A_8 = arith.constant 0 : index
    %swap3A_9 = vector.load %arg1[%swap3A_7, %swap3A_8] : memref<8x64xi32, #tpu.memory_space<vmem>>, vector<8x64xi32>
    tpu.vector_store %arg1[%swap3A_7, %swap3A_8], %broadcast_in_dim3A_6 {strides = array<i32>} : memref<8x64xi32, #tpu.memory_space<vmem>>, vector<8x64xi32>,
    %get3A_10 = arith.constant 0 : index
    %get3A_11 = arith.constant 0 : index
    %get3A_12 = vector.load %arg2[%get3A_10, %get3A_11] : memref<256x128xf32, #tpu.memory_space<vmem>>, vector<256x128xf32>
    %reduce_max3A = arith.constant dense<0xFF800000> : vector<256xf32>
    %reduce_max3A_13 = vector.multi_reduction <maximumf>, %get3A_12, %reduce_max3A [1] : vector<256x128xf32> to vector<256xf32>
    %broadcast_in_dim3A_14 = vector.shape_cast %reduce_max3A_13 : vector<256xf32> to vector<256x1xf32>
    %scan3A = arith.constant 0xFF800000 : f32
    %scan3A_15 = arith.constant 0 : i32
    %scan3A_16 = arith.constant 64 : i32
    %scan3A_17 = arith.addi %scan3A_15, %scan3A_16 : i32
    %scan3A_18 = arith.constant 1 : i32
    %scan3A_19 = scf.for %scan3A_21 = %scan3A_15 to %scan3A_17 step %scan3A_18 iter_args(%scan3A_22 = %broadcast_in_dim3A_14) -> (vector<256x1xf32>)  : i32 {
      %reduce_max3A_23 = vector.shape_cast %scan3A_22 : vector<256x1xf32> to vector<1x256x1xf32>
      %reduce_max3A_24 = arith.constant dense<0xFF800000> : vector<1xf32>
      %reduce_max3A_25 = vector.multi_reduction <maximumf>, %reduce_max3A_23, %reduce_max3A_24 [1, 2] : vector<1x256x1xf32> to vector<1xf32>
      %reduce_max3A_26 = vector.shape_cast %reduce_max3A_25 : vector<1xf32> to vector<1x1x1xf32>
      %reduce_max3A_27 = vector.extract %reduce_max3A_26[0, 0, 0] : f32 from vector<1x1x1xf32>
      %eq3A = vector.broadcast %reduce_max3A_27 : f32 to vector<256x1xf32>
      %eq3A_28 = arith.cmpf oeq, %scan3A_22, %eq3A : vector<256x1xf32>
      %jit3A = arith.constant 256 : i32
      %broadcast_in_dim3A_29 = vector.broadcast %jit3A : i32 to vector<256x1xi32>
      %select_n3A = arith.select %eq3A_28, %iota3A, %broadcast_in_dim3A_29 : vector<256x1xi1>, vector<256x1xi32>
      %reduce_min3A = vector.shape_cast %select_n3A : vector<256x1xi32> to vector<1x256x1xi32>
      %reduce_min3A_30 = arith.constant dense<2147483647> : vector<1xi32>
      %reduce_min3A_31 = vector.multi_reduction <minsi>, %reduce_min3A, %reduce_min3A_30 [1, 2] : vector<1x256x1xi32> to vector<1xi32>
      %reduce_min3A_32 = vector.shape_cast %reduce_min3A_31 : vector<1xi32> to vector<1x1x1xi32>
      %reduce_min3A_33 = vector.extract %reduce_min3A_32[0, 0, 0] : i32 from vector<1x1x1xi32>
      %get3A_34 = arith.index_cast %reduce_min3A_33 : i32 to index
      %get3A_35 = arith.constant 0 : index
      %get3A_36 = vector.load %arg2[%get3A_34, %get3A_35] : memref<256x128xf32, #tpu.memory_space<vmem>>, vector<1x128xf32>
      %eq3A_37 = vector.broadcast %reduce_max3A_27 : f32 to vector<1x128xf32>
      %eq3A_38 = arith.cmpf oeq, %get3A_36, %eq3A_37 : vector<1x128xf32>
      %jit3A_39 = arith.constant 128 : i32
      %broadcast_in_dim3A_40 = vector.broadcast %jit3A_39 : i32 to vector<1x128xi32>
      %select_n3A_41 = arith.select %eq3A_38, %iota3A_4, %broadcast_in_dim3A_40 : vector<1x128xi1>, vector<1x128xi32>
      %reduce_min3A_42 = vector.shape_cast %select_n3A_41 : vector<1x128xi32> to vector<1x1x128xi32>
      %reduce_min3A_43 = arith.constant dense<2147483647> : vector<1xi32>
      %reduce_min3A_44 = vector.multi_reduction <minsi>, %reduce_min3A_42, %reduce_min3A_43 [1, 2] : vector<1x1x128xi32> to vector<1xi32>
      %reduce_min3A_45 = vector.shape_cast %reduce_min3A_44 : vector<1xi32> to vector<1x1x1xi32>
      %reduce_min3A_46 = vector.extract %reduce_min3A_45[0, 0, 0] : i32 from vector<1x1x1xi32>
      %mul3A = arith.constant 128 : i32
      %mul3A_47 = arith.muli %reduce_min3A_33, %mul3A : i32
      %add3A = arith.addi %mul3A_47, %reduce_min3A_46 : i32
      %eq3A_48 = vector.broadcast %scan3A_21 : i32 to vector<8x64xi32>
      %eq3A_49 = arith.cmpi eq, %iota3A_5, %eq3A_48 : vector<8x64xi32>
      %get3A_50 = arith.constant 0 : index
      %get3A_51 = arith.constant 0 : index
      %get3A_52 = vector.load %arg1[%get3A_50, %get3A_51] : memref<8x64xi32, #tpu.memory_space<vmem>>, vector<8x64xi32>
      %broadcast_in_dim3A_53 = vector.broadcast %add3A : i32 to vector<8x64xi32>
      %select_n3A_54 = arith.select %eq3A_49, %broadcast_in_dim3A_53, %get3A_52 : vector<8x64xi1>, vector<8x64xi32>
      %swap3A_55 = arith.constant 0 : index
      %swap3A_56 = arith.constant 0 : index
      %swap3A_57 = vector.load %arg1[%swap3A_55, %swap3A_56] : memref<8x64xi32, #tpu.memory_space<vmem>>, vector<8x64xi32>
      tpu.vector_store %arg1[%swap3A_55, %swap3A_56], %select_n3A_54 {strides = array<i32>} : memref<8x64xi32, #tpu.memory_space<vmem>>, vector<8x64xi32>,
      %eq3A_58 = vector.broadcast %reduce_min3A_46 : i32 to vector<1x128xi32>
      %eq3A_59 = arith.cmpi eq, %iota3A_4, %eq3A_58 : vector<1x128xi32>
      %broadcast_in_dim3A_60 = vector.broadcast %scan3A : f32 to vector<1x128xf32>
      %select_n3A_61 = arith.select %eq3A_59, %broadcast_in_dim3A_60, %get3A_36 : vector<1x128xi1>, vector<1x128xf32>
      %swap3A_62 = arith.index_cast %reduce_min3A_33 : i32 to index
      %swap3A_63 = arith.constant 0 : index
      %swap3A_64 = vector.load %arg2[%swap3A_62, %swap3A_63] : memref<256x128xf32, #tpu.memory_space<vmem>>, vector<1x128xf32>
      tpu.vector_store %arg2[%swap3A_62, %swap3A_63], %select_n3A_61 {strides = array<i32>} : memref<256x128xf32, #tpu.memory_space<vmem>>, vector<1x128xf32>,
      %eq3A_65 = vector.broadcast %reduce_min3A_33 : i32 to vector<256x1xi32>
      %eq3A_66 = arith.cmpi eq, %iota3A, %eq3A_65 : vector<256x1xi32>
      %reduce_max3A_67 = vector.shape_cast %select_n3A_61 : vector<1x128xf32> to vector<1x1x128xf32>
      %reduce_max3A_68 = arith.constant dense<0xFF800000> : vector<1xf32>
      %reduce_max3A_69 = vector.multi_reduction <maximumf>, %reduce_max3A_67, %reduce_max3A_68 [1, 2] : vector<1x1x128xf32> to vector<1xf32>
      %reduce_max3A_70 = vector.shape_cast %reduce_max3A_69 : vector<1xf32> to vector<1x1x1xf32>
      %reduce_max3A_71 = vector.extract %reduce_max3A_70[0, 0, 0] : f32 from vector<1x1x1xf32>
      %broadcast_in_dim3A_72 = vector.broadcast %reduce_max3A_71 : f32 to vector<256x1xf32>
      %select_n3A_73 = arith.select %eq3A_66, %broadcast_in_dim3A_72, %scan3A_22 : vector<256x1xi1>, vector<256x1xf32>
      scf.yield %select_n3A_73 : vector<256x1xf32>
    }
    %scan3A_20 = arith.constant 64 : i32
    return
  }
}

</mosaic_0001>

<sc_bundles>
// kernel: kernel.7.cloned.1.call-start
scs
__scs_entry_jumppad:
0x0: {  	(pc) =	sbr.rel $0x88, $3  }
0x1: {  	(tag) =	ssettag $0x0;
	lr =	simm.s32 $0x1  }
0x2: {  	[smem:$0x3F98] =	sst lr;
	_ =	strace $0xD0000000  }
0x3: {  	_ = 	snop  }
0x4: {  	_ = 	snop  }
0x5: {  	_ = 	snop  }
0x6: {  	_ = 	snop  }
0x7: {  	_ = 	snop  }
__scs_overlays_trampoline_lowered:
0x8: {  	[smem:$0x3FA7] =	sst s0  }
0x9: {  	[smem:$0x3FA8] =	sst s1  }
0xa: {  	[smem:$0x3FA9] =	sst s2  }
0xb: {  	[smem:$0x3FAA] =	sst s3  }
0xc: {  	[smem:$0x3FAB] =	sst s4  }
0xd: {  	[smem:$0x3FAC] =	sst s5  }
0xe: {  	[smem:$0x3FAD] =	sst s6  }
0xf: {  	[smem:$0x3FAE] =	sst s7  }
0x10: {  	[smem:$0x3FAF] =	sst s8  }
0x11: {  	[smem:$0x3FB0] =	sst s9;
	s0 =	simm.s32 @!p0 $0x0  }
0x12: {  	s1 =	sld [smem:$0x3F96];
	s0 =	simm.s32 @p0 $0x1  }
0x13: {  	[smem:$0x3FB1] =	sst s0;
	s0 =	simm.s32 @!p1 $0x0  }
0x14: {  	s2 =	sld [smem:$0x3F95];
	s0 =	simm.s32 @p1 $0x1  }
0x15: {  	[smem:$0x3FB2] =	sst s0;
	s0 =	simm.s32 @!p2 $0x0  }
0x16: {  	s3 =	sld [smem:$0x3FDB];
	s0 =	simm.s32 @p2 $0x1  }
0x17: {  	s4 =	simm.s32 $0x1BF5;
	[smem:$0x3FB4] =	sst s0  }
0x18: {  	s0 =	sld [smem:$0x3F97];
	_ =	swait.ge [sflag:s4], $0x0  }
0x19: {  	s7 =	sld [smem:$0x3F98]  }
0x1a: {  	s8 =	sadd.s32 $0xFFFFE003, lr  }
0x1b: {  	s9 =	sadd.s32 $0xFFFFFEF7, lr;
	s5 =	simm.s32 $0xFFFFFFFF;
	p2 =	slt.u32 s8, $0xFFFFF086  }
0x1c: {  	p1 =	slt.u32 s9, $0xF7A;
	s5 =	simm.s32 @!p2 $0x0  }
0x1d: {  	s5 =	simm.s32 @p1 $0x1;
	p0 =	seq.s32 s7, s2  }
0x1e: {  	s7 =	smul.u32 @!p0 $0xF7A, s2;
	p2 =	seq.s32 @!p0 s5, $0x0  }
0x1f: {  	s9 =	smul.u32 $0xF7A, s1;
	s8 =	simm.s32 @!p0 $0x1BF5;
	p2 =	por !p2, p0  }
0x20: {  	[sflag:s8] =	ssyncset.s32 @!p0 $0xFFFFF086;
	s6 =	sadd.s32 @!p0 s3, s7;
	s7 =	simm.s32 @!p0 $0x108  }
0x21: {  	s3 =	sadd.s32 s3, s9;
	s6 =	sadd.s32 @!p0 $0x88, s6;
	s7 =	simm.s32 @p2 $0x1082  }
0x22: {  	[simem:s7], [sflag:s8] =	dma.local @!p0 [hbm:s6], $0xF7A  }
0x23: {  	s9 =	sor.u32 $0xD0000000, s2;
	s6 =	simm.s32 $0x108;
	_ =	swait.ge @!p0 [sflag:s8], $0x0  }
0x24: {  	s3 =	sadd.s32 $0x88, s3;
	s6 =	simm.s32 @!p1 $0x1082;
	[sflag:s4] =	ssyncset.s32 $0xFFFFF086  }
0x25: {  	[simem:s6], [sflag:s4] =	dma.local [hbm:s3], $0xF7A  }
0x26: {  	[smem:$0x3F98] =	sst s1;
	(tag) =	ssettag s2;
	_ =	strace s9  }
0x27: {  	s1 =	sld [smem:$0x3FA8]  }
0x28: {  	s2 =	sld [smem:$0x3FA9]  }
0x29: {  	s4 =	sld [smem:$0x3FAB]  }
0x2a: {  	p0 =	seq.s32 s5, $0x0;
	s5 =	sld [smem:$0x3FAC]  }
0x2b: {  	s6 =	sld [smem:$0x3FAD]  }
0x2c: {  	s7 =	sld [smem:$0x3FAE]  }
0x2d: {  	s3 =	simm.s32 $0x108;
	s8 =	sld [smem:$0x3FAF]  }
0x2e: {  	s3 =	simm.s32 @!p0 $0x1082;
	s9 =	sld [smem:$0x3FB0]  }
0x2f: {  	lr =	sadd.s32 s0, s3;
	s0 =	sld [smem:$0x3FA7]  }
0x30: {  	s3 =	sld [smem:$0x3FAA]  }
0x31: {  	[smem:$0x3FB3] =	sst s10  }
0x32: {  	s10 =	sld [smem:$0x3FB1];
	_ =	sdelay $0x3  }
0x33: {  	p0 =	seq.s32 s10, $0x1;
	s10 =	sld [smem:$0x3FB3];
	_ =	sdelay $0x3  }
0x34: {  	[smem:$0x3FB3] =	sst s10  }
0x35: {  	s10 =	sld [smem:$0x3FB2];
	_ =	sdelay $0x3  }
0x36: {  	p1 =	seq.s32 s10, $0x1;
	s10 =	sld [smem:$0x3FB3];
	_ =	sdelay $0x3  }
0x37: {  	[smem:$0x3FB3] =	sst s10  }
0x38: {  	s10 =	sld [smem:$0x3FB4]  }
0x39: {  	_ = 	snop;
	(pc) =	sbr.ind lr, $3  }
0x3a: {  	_ = 	snop  }
0x3b: {  	_ = 	snop  }
0x3c: {  	p2 =	seq.s32 s10, $0x1;
	s10 =	sld [smem:$0x3FB3]  }
0x3d: {  	_ =	shalt  }
0x3e: {  	_ =	shalt  }
0x3f: {  	_ =	shalt  }
0x40: {  	_ =	shalt  }
0x41: {  	_ =	shalt  }
0x42: {  	_ =	shalt  }
0x43: {  	_ =	shalt  }
0x44: {  	_ =	shalt  }
0x45: {  	_ =	shalt  }
0x46: {  	_ =	shalt  }
0x47: {  	_ =	shalt  }
0x48: {  	_ =	shalt  }
0x49: {  	_ =	shalt  }
0x4a: {  	_ =	shalt  }
0x4b: {  	_ =	shalt  }
0x4c: {  	_ =	shalt  }
0x4d: {  	_ =	shalt  }
0x4e: {  	_ =	shalt  }
0x4f: {  	_ =	shalt  }
0x50: {  	_ =	shalt  }
0x51: {  	_ =	shalt  }
0x52: {  	_ =	shalt  }
0x53: {  	_ =	shalt  }
0x54: {  	_ =	shalt  }
0x55: {  	_ =	shalt  }
0x56: {  	_ =	shalt  }
0x57: {  	_ =	shalt  }
0x58: {  	_ =	shalt  }
0x59: {  	_ =	shalt  }
0x5a: {  	_ =	shalt  }
0x5b: {  	_ =	shalt  }
0x5c: {  	_ =	shalt  }
0x5d: {  	_ =	shalt  }
0x5e: {  	_ =	shalt  }
0x5f: {  	_ =	shalt  }
0x60: {  	_ =	shalt  }
0x61: {  	_ =	shalt  }
0x62: {  	_ =	shalt  }
0x63: {  	_ =	shalt  }
0x64: {  	_ =	shalt  }
0x65: {  	_ =	shalt  }
0x66: {  	_ =	shalt  }
0x67: {  	_ =	shalt  }
0x68: {  	_ =	shalt  }
0x69: {  	_ =	shalt  }
0x6a: {  	_ =	shalt  }
0x6b: {  	_ =	shalt  }
0x6c: {  	_ =	shalt  }
0x6d: {  	_ =	shalt  }
0x6e: {  	_ =	shalt  }
0x6f: {  	_ =	shalt  }
0x70: {  	_ =	shalt  }
0x71: {  	_ =	shalt  }
0x72: {  	_ =	shalt  }
0x73: {  	_ =	shalt  }
0x74: {  	_ =	shalt  }
0x75: {  	_ =	shalt  }
0x76: {  	_ =	shalt  }
0x77: {  	_ =	shalt  }
0x78: {  	_ =	shalt  }
0x79: {  	_ =	shalt  }
0x7a: {  	_ =	shalt  }
0x7b: {  	_ =	shalt  }
0x7c: {  	_ =	shalt  }
0x7d: {  	_ =	shalt  }
0x7e: {  	_ =	shalt  }
0x7f: {  	_ =	shalt  }
0x80: {  	_ =	shalt  }
0x81: {  	_ =	shalt  }
0x82: {  	_ =	shalt  }
0x83: {  	_ =	shalt  }
0x84: {  	_ =	shalt  }
0x85: {  	_ =	shalt  }
0x86: {  	_ =	shalt  }
0x87: {  	_ =	shalt  }
.Lfunc_end0:
.L_simem_size_0:
called_computation_lowered:
.L_overlay_start_0:
0x88: {  	s2 =	sld [smem:$0x3FD9]  }
0x89: {  	s3 =	sld [smem:$0x3FFE];
	_ =	sdelay $0x1  }
0x8a: {  	s1 =	srdreg.scid  }
0x8b: {  	s0 =	sand.u32 $0x1, s1  }
0x8c: {  	s14 =	sshll.u32 s0, $0xA;
	s2 =	sadd.s32 s3, s2  }
0x8d: {  	s2 =	sadd.s32 s2, s14  }
0x8e: {  	[smem:$0x3FBF] =	sst s2  }
0x8f: {  	_ = 	snop  }
0x90: {  	s2 =	sld [smem:$0x3FD0];
	_ =	sdelay $0x2  }
0x91: {  	s15 =	simm.s32 $0xA;
	s4 =	simm.s32 $0x10  }
0x92: {  	[smem:s4], [sflag:s15] =	dma.local [hbm:s2], $0x1  }
0x93: {  	_ =	swait.eq [sflag:s15], $0x1  }
0x94: {  	[sflag:s15] =	ssyncset.done $0x0  }
0x95: {  	[sflag:s15] =	ssyncadd.s32 $0xFFFFFFFF  }
0x96: {  	s16 =	sld [smem:$0x10];
	(tm) =	ssettm $0x1  }
0x97: {  	s17 =	sld [smem:$0x3FFB];
	_ =	sdelay $0x3  }
0x98: {  	_ =	strace s17  }
0x99: {  	s3 =	sld [smem:$0x3FFC];
	_ =	sdelay $0x3  }
0x9a: {  	_ =	strace s3  }
0x9b: {  	s3 =	sld [smem:$0x3FFD];
	_ =	sdelay $0x3  }
0x9c: {  	_ =	strace s3  }
0x9d: {  	_ =	strace $0x8FFFFFFF  }
0x9e: {  	s18 =	sld [smem:$0x3FDB];
	_ =	sdelay $0x1  }
0x9f: {  	s19 =	simm.s32 $_scs_section_size  }
0xa0: {  	s5 =	simm.s32 $_size__tile_overlayer_lowered;
	s6 =	simm.s32 $_tile_overlayer_lowered  }
0xa1: {  	s22 =	simm.s32 $0x1BFF;
	s21 =	sshll.u32 s6, $0x1;
	s3 =	sadd.s32 s19, s18  }
0xa2: {  	s7 =	simm.s32 $0x0;
	s20 =	sshll.u32 s5, $0x1;
	s5 =	sadd.s32 s21, s3  }
0xa3: {  	[timem:s7], [sflag:s22] =	dma.local [hbm:s5], s20  }
0xa4: {  	_ =	swait.ge [sflag:s22], s20  }
0xa5: {  	s4 =	ssub.s32 $0x0, s20;
	[sflag:s22] =	ssyncset.done $0x0  }
0xa6: {  	[sflag:s22] =	ssyncadd.s32 s4;
	_ =	sdelay $0x1  }
0xa7: {  	s23 =	simm.s32 $0x1B8B  }
0xa8: {  	_ =	swait.ge [sflag:s23], $0x1  }
0xa9: {  	[sflag:s23] =	ssyncset.done $0x0  }
0xaa: {  	s25 =	simm.s32 $0x1B8E;
	s24 =	sld [smem:$0x3FFE];
	[sflag:s23] =	ssyncadd.s32 $0xFFFFFFFF  }
0xab: {  	s26 =	simm.s32 $execute0_lowered;
	[smem:$0x3FD2] =	sst s25  }
0xac: {  	s5 =	sshll.u32 s26, $0x1;
	_ =	strace $0x80000046;
	[dreg:$0x1] =	wrdreg $0xFFFFFFFF  }
0xad: {  	s28 =	simm.s32 $_size_execute0_lowered;
	s3 =	sadd.s32 s3, s5;
	[dreg:$0x0] =	wrdreg $0x0  }
0xae: {  	s5 =	sshll.u32 s28, $0x1;
	[dreg:$0x2] =	wrdreg s3  }
0xaf: {  	[dreg:$0x3] =	wrdreg s5  }
0xb0: {  	[dreg:$0x4] =	wrdreg $0xC0  }
0xb1: {  	_ =	task [dreg:s7], $0x5FFFF  }
0xb2: {  	[dreg:$0x1] =	wrdreg $0xFFFFFFFF  }
0xb3: {  	[dreg:$0x0] =	wrdreg $0x60  }
0xb4: {  	[dreg:$0x2] =	wrdreg s24  }
0xb5: {  	[dreg:$0x3] =	wrdreg s16  }
0xb6: {  	[dreg:$0x4] =	wrdreg $0x9  }
0xb7: {  	_ =	task.clear_ibuf [dreg:s7], $0x5FFFF;
	_ =	strace $0x90000046  }
0xb8: {  	s29 =	simm.s32 $0x9;
	_ =	strace $0x80000048  }
0xb9: {  	_ =	swait.ge [sflag:s29], $0x1  }
0xba: {  	[sflag:s29] =	ssyncadd.s32 $0xFFFFFFFF  }
0xbb: {  	_ =	strace $0x90000048  }
0xbc: {  	_ =	sfence  }
0xbd: {  	s30 =	sld [smem:$0x0];
	_ =	sdelay $0x2  }
0xbe: {  	s31 =	sshll.u32 s1, $0xD;
	s1 =	sshrl.u32 s1, $0x2  }
0xbf: {  	s3 =	sand.u32 $0x4000, s31;
	s1 =	sadd.s32 s1, s30  }
0xc0: {  	s0 =	sor.u32 s3, s0;
	s1 =	sshll.u32 s1, $0x11  }
0xc1: {  	s0 =	sor.u32 s1, s0  }
0xc2: {  	s0 =	sadd.s32 $0x8F2B, s0  }
0xc3: {  	[sflag:s0] =	ssyncadd.remote.s32 $0x1  }
0xc4: {  	_ =	sfence.sel $0xFFFF  }
0xc5: {  	[dreg:$0x0] =	wrdreg $0xFFFFFFFF;
	(pc) =	sbr.abs _section_cstart, $3  }
0xc6: {  	[dreg:$0x1] =	wrdreg $0xFFFFFFFF  }
0xc7: {  	_ =	task.clear_ibuf [dreg:s7], $0x2FFFF;
	_ =	strace $0x9FFFFFFF  }
0xc8: {  	(tm) =	ssettm $0x7FFFFFFF  }
0xc9: {  	_ =	shalt  }
tec
execute0_lowered:
.L_overlay_start_1:
0x0: {  	(tag) =	ssettag $0x1  }
0x1: {  	s5 =	rddreg [dreg:$0x0]  }
0x2: {  	s1 =	rddreg [dreg:$0x1]  }
0x3: {  	s0 =	rddreg [dreg:$0x2]  }
0x4: {  	s2 =	simm.s32 $0x0;
	s3 =	srdreg.scid;
	s10 =	simm.s32 $0x80  }
0x5: {  	s11 =	simm.s32 $0x400;
	s12 =	simm.s32 $0x1;
	s13 =	simm.s32 $0x10000  }
0x6: {  	s14 =	simm.s32 $0x8000;
	s15 =	simm.s32 $0x0;
	s7 =	sand.u32 $0x1, s3  }
0x7: {  	[smem:$0x7FF] =	sst s2;
	s4 =	sadd.s32 $0x1A00, s5;
	s6 =	ssub.s32 $0x2, s7  }
0x8: {  	s3 =	stileid.u32;
	s5 =	sadd.s32 $0x81A00, s5;
	s8 =	sshrl.u32 s6, $0x1  }
0x9: {  	_ =	strace $0x80000047;
	s7 =	sshll.u32 s7, $0x9;
	s9 =	ssub.s32 s6, s8  }
0xa: {  	v0 =	vlaneseq.u32;
	v1 =	vimm.f32 $0.0e+00;
	s6 =	sshll.u32 s3, $0x12;
	s8 =	sshll.u32 s3, $0xA;
	s9 =	smax.u32 s9, $0x1  }
.LBB2_1:
0xb: {  	s16 =	simm.s32 $0x0  }
.LBB2_2:
0xc: {  	s17 =	sshll.u32 s16, $0x7  }
0xd: {  	s18 =	sadd.s32 s7, s17  }
0xe: {  	s17 =	sadd.s32 s6, s18  }
0xf: {  	s17 =	sshrl.u32 s17, $0x3  }
0x10: {  	s19 =	sadd.s32 s4, s17  }
0x11: {  	[tilespmem:s2], [sflag:$0x1] =	stream.strided.gather [hbm4b:s19+s10], $0x8000, s11, s10, $0x38;
	[tilespmem:$0x10080] =	vst v63  }
0x12: {  	s18 =	sadd.s32 s8, s18;
	_ =	swait.ge [sflag:s12], $0x8000  }
0x13: {  	s18 =	sshrl.u32 s18, $0x3;
	[sflag:s12] =	ssyncset.done $0x0  }
0x14: {  	s18 =	sadd.s32 s5, s18;
	[sflag:s12] =	ssyncadd.s32 $0xFFFF8000  }
0x15: {  	[tilespmem:s13], [sflag:$0x1] =	stream.linear.gather [hbm4b:s18+s2], $0x80, $0x38;
	[tilespmem:$0x10080] =	vst v63  }
0x16: {  	_ =	swait.ge [sflag:s12], $0x80  }
0x17: {  	[sflag:s12] =	ssyncset.done $0x0  }
0x18: {  	[sflag:s12] =	ssyncadd.s32 $0xFFFFFF80  }
0x19: {  	v3 =	vld [tilespmem:$0x10000]  }
0x1a: {  	s24 =	simm.s32 $0x40  }
0x1b: {  	v4 =	vld [tilespmem:s24+$0xFFFFFFC0];
	_ =	sdelay $0x2  }
0x1c: {  	s25 =	simm.s32 $0x0;
	v2 =	vbroadcast v3, $0x0;
	v3 =	vbroadcast v3, $0x1  }
0x1d: {  	v5 =	vor.u32 s25, v0  }
0x1e: {  	vm0 =	veq.s32 v4, v2;
	vm1 =	vle.s32 v5, v3  }
0x1f: {  	vm2 =	vgt.s32 v4, v2;
	vm0 =	vmand vm1, vm0  }
0x20: {  	vm0 =	vmor vm2, vm0  }
0x21: {  	s18 =	simm.s32 $0x8040;
	v4 =	vsel vm0, $0x3F800000, v1  }
0x22: {  	[tilespmem:s18+$0xFFFFFFC0] =	vst v4  }
0x23: {  	v4 =	vld [tilespmem:s24+$0xFFFFFFD0];
	_ =	sdelay $0x2  }
0x24: {  	s20 =	simm.s32 $0x10  }
0x25: {  	v5 =	vor.u32 s20, v0  }
0x26: {  	vm8 =	vle.s32 v5, v3;
	vm7 =	veq.s32 v4, v2  }
0x27: {  	vm9 =	vgt.s32 v4, v2;
	vm0 =	vmand vm8, vm7  }
0x28: {  	vm0 =	vmor vm9, vm0  }
0x29: {  	v4 =	vsel vm0, $0x3F800000, v1  }
0x2a: {  	[tilespmem:s18+$0xFFFFFFD0] =	vst v4  }
0x2b: {  	v4 =	vld [tilespmem:s24+$0xFFFFFFE0];
	_ =	sdelay $0x2  }
0x2c: {  	s26 =	simm.s32 $0x20  }
0x2d: {  	v5 =	vor.u32 s26, v0  }
0x2e: {  	vm11 =	vle.s32 v5, v3;
	vm10 =	veq.s32 v4, v2  }
0x2f: {  	vm12 =	vgt.s32 v4, v2;
	vm0 =	vmand vm11, vm10  }
0x30: {  	vm0 =	vmor vm12, vm0  }
0x31: {  	v4 =	vsel vm0, $0x3F800000, v1  }
0x32: {  	[tilespmem:s18+$0xFFFFFFE0] =	vst v4  }
0x33: {  	v4 =	vld [tilespmem:s24+$0xFFFFFFF0];
	_ =	sdelay $0x2  }
0x34: {  	s28 =	simm.s32 $0x30  }
0x35: {  	v5 =	vor.u32 s28, v0  }
0x36: {  	vm14 =	vle.s32 v5, v3;
	vm13 =	veq.s32 v4, v2  }
0x37: {  	vm15 =	vgt.s32 v4, v2;
	vm0 =	vmand vm14, vm13  }
0x38: {  	vm0 =	vmor vm15, vm0  }
0x39: {  	v4 =	vsel vm0, $0x3F800000, v1  }
0x3a: {  	[tilespmem:s18+$0xFFFFFFF0] =	vst v4  }
0x3b: {  	v4 =	vld [tilespmem:s24+$0x0];
	_ =	sdelay $0x2  }
0x3c: {  	s29 =	simm.s32 $0x40  }
0x3d: {  	v5 =	vor.u32 s29, v0  }
0x3e: {  	vm5 =	vle.s32 v5, v3;
	vm4 =	veq.s32 v4, v2  }
0x3f: {  	vm6 =	vgt.s32 v4, v2;
	vm0 =	vmand vm5, vm4  }
0x40: {  	vm0 =	vmor vm6, vm0  }
0x41: {  	v4 =	vsel vm0, $0x3F800000, v1  }
0x42: {  	[tilespmem:s18+$0x0] =	vst v4  }
0x43: {  	v4 =	vld [tilespmem:s24+$0x10];
	_ =	sdelay $0x2  }
0x44: {  	s30 =	simm.s32 $0x50  }
0x45: {  	v5 =	vor.u32 s30, v0  }
0x46: {  	vm8 =	vle.s32 v5, v3;
	vm7 =	veq.s32 v4, v2  }
0x47: {  	vm9 =	vgt.s32 v4, v2;
	vm0 =	vmand vm8, vm7  }
0x48: {  	vm0 =	vmor vm9, vm0  }
0x49: {  	v4 =	vsel vm0, $0x3F800000, v1  }
0x4a: {  	[tilespmem:s18+$0x10] =	vst v4  }
0x4b: {  	v4 =	vld [tilespmem:s24+$0x20];
	_ =	sdelay $0x2  }
0x4c: {  	s31 =	simm.s32 $0x60  }
0x4d: {  	v5 =	vor.u32 s31, v0  }
0x4e: {  	vm11 =	vle.s32 v5, v3;
	vm10 =	veq.s32 v4, v2  }
0x4f: {  	vm12 =	vgt.s32 v4, v2;
	vm0 =	vmand vm11, vm10  }
0x50: {  	vm0 =	vmor vm12, vm0  }
0x51: {  	v4 =	vsel vm0, $0x3F800000, v1  }
0x52: {  	[tilespmem:s18+$0x20] =	vst v4  }
0x53: {  	v4 =	vld [tilespmem:s24+$0x30];
	_ =	sdelay $0x2  }
0x54: {  	s19 =	simm.s32 $0x70  }
0x55: {  	v5 =	vor.u32 s19, v0  }
0x56: {  	vm14 =	vle.s32 v5, v3;
	vm13 =	veq.s32 v4, v2  }
0x57: {  	vm15 =	vgt.s32 v4, v2;
	vm0 =	vmand vm14, vm13  }
0x58: {  	vm0 =	vmor vm15, vm0  }
0x59: {  	v4 =	vsel vm0, $0x3F800000, v1  }
0x5a: {  	s21 =	simm.s32 $0xC0;
	s20 =	simm.s32 $0x0;
	[tilespmem:s18+$0x30] =	vst v4  }
.LBB2_3:
0x5b: {  	v4 =	vld [tilespmem:s21+$0xFFFFFFC0];
	s20 =	sadd.s32 $0x8, s20  }
0x5c: {  	p0 =	slt.u32 s20, $0x7F8  }
0x5d: {  	s19 =	sadd.s32 $0x80, s19  }
0x5e: {  	s22 =	sadd.s32 $0xFFFFFF90, s19  }
0x5f: {  	v5 =	vor.u32 s22, v0  }
0x60: {  	vm1 =	vle.s32 v5, v3;
	vm0 =	veq.s32 v4, v2  }
0x61: {  	vm2 =	vgt.s32 v4, v2;
	vm0 =	vmand vm1, vm0  }
0x62: {  	vm0 =	vmor vm2, vm0  }
0x63: {  	s18 =	sadd.s32 $0x80, s18;
	v4 =	vsel vm0, $0x3F800000, v1  }
0x64: {  	[tilespmem:s18+$0xFFFFFFC0] =	vst v4  }
0x65: {  	v4 =	vld [tilespmem:s21+$0xFFFFFFD0];
	_ =	sdelay $0x2  }
0x66: {  	s22 =	sadd.s32 $0xFFFFFFA0, s19  }
0x67: {  	v5 =	vor.u32 s22, v0  }
0x68: {  	vm1 =	vle.s32 v5, v3;
	vm0 =	veq.s32 v4, v2  }
0x69: {  	vm2 =	vgt.s32 v4, v2;
	vm0 =	vmand vm1, vm0  }
0x6a: {  	vm0 =	vmor vm2, vm0  }
0x6b: {  	v4 =	vsel vm0, $0x3F800000, v1  }
0x6c: {  	[tilespmem:s18+$0xFFFFFFD0] =	vst v4  }
0x6d: {  	v4 =	vld [tilespmem:s21+$0xFFFFFFE0];
	_ =	sdelay $0x2  }
0x6e: {  	s22 =	sadd.s32 $0xFFFFFFB0, s19  }
0x6f: {  	v5 =	vor.u32 s22, v0  }
0x70: {  	vm1 =	vle.s32 v5, v3;
	vm0 =	veq.s32 v4, v2  }
0x71: {  	vm2 =	vgt.s32 v4, v2;
	vm0 =	vmand vm1, vm0  }
0x72: {  	vm0 =	vmor vm2, vm0  }
0x73: {  	v4 =	vsel vm0, $0x3F800000, v1  }
0x74: {  	[tilespmem:s18+$0xFFFFFFE0] =	vst v4  }
0x75: {  	v4 =	vld [tilespmem:s21+$0xFFFFFFF0];
	_ =	sdelay $0x2  }
0x76: {  	s22 =	sadd.s32 $0xFFFFFFC0, s19  }
0x77: {  	v5 =	vor.u32 s22, v0  }
0x78: {  	vm1 =	vle.s32 v5, v3;
	vm0 =	veq.s32 v4, v2  }
0x79: {  	vm2 =	vgt.s32 v4, v2;
	vm0 =	vmand vm1, vm0  }
0x7a: {  	vm0 =	vmor vm2, vm0  }
0x7b: {  	v4 =	vsel vm0, $0x3F800000, v1  }
0x7c: {  	[tilespmem:s18+$0xFFFFFFF0] =	vst v4  }
0x7d: {  	v4 =	vld [tilespmem:s21+$0x0];
	_ =	sdelay $0x2  }
0x7e: {  	s22 =	sadd.s32 $0xFFFFFFD0, s19  }
0x7f: {  	v5 =	vor.u32 s22, v0  }
0x80: {  	vm1 =	vle.s32 v5, v3;
	vm0 =	veq.s32 v4, v2  }
0x81: {  	vm2 =	vgt.s32 v4, v2;
	vm0 =	vmand vm1, vm0  }
0x82: {  	vm0 =	vmor vm2, vm0  }
0x83: {  	v4 =	vsel vm0, $0x3F800000, v1  }
0x84: {  	[tilespmem:s18+$0x0] =	vst v4  }
0x85: {  	v4 =	vld [tilespmem:s21+$0x10];
	_ =	sdelay $0x2  }
0x86: {  	s22 =	sadd.s32 $0xFFFFFFE0, s19  }
0x87: {  	v5 =	vor.u32 s22, v0  }
0x88: {  	vm1 =	vle.s32 v5, v3;
	vm0 =	veq.s32 v4, v2  }
0x89: {  	vm2 =	vgt.s32 v4, v2;
	vm0 =	vmand vm1, vm0  }
0x8a: {  	vm0 =	vmor vm2, vm0  }
0x8b: {  	v4 =	vsel vm0, $0x3F800000, v1  }
0x8c: {  	[tilespmem:s18+$0x10] =	vst v4  }
0x8d: {  	v4 =	vld [tilespmem:s21+$0x20];
	_ =	sdelay $0x2  }
0x8e: {  	s22 =	sadd.s32 $0xFFFFFFF0, s19  }
0x8f: {  	v5 =	vor.u32 s22, v0  }
0x90: {  	vm1 =	vle.s32 v5, v3;
	vm0 =	veq.s32 v4, v2  }
0x91: {  	vm2 =	vgt.s32 v4, v2;
	vm0 =	vmand vm1, vm0  }
0x92: {  	vm0 =	vmor vm2, vm0  }
0x93: {  	v4 =	vsel vm0, $0x3F800000, v1  }
0x94: {  	[tilespmem:s18+$0x20] =	vst v4  }
0x95: {  	v4 =	vld [tilespmem:s21+$0x30];
	_ =	sdelay $0x3  }
0x96: {  	v5 =	vor.u32 s19, v0  }
.Ltmp0:
0x97: {  	vm1 =	vle.s32 v5, v3;
	vm0 =	veq.s32 v4, v2;
	(pc) =	sbr.rel @p0 .LBB2_3-.Ltmp0, $4  }
0x98: {  	vm2 =	vgt.s32 v4, v2;
	vm0 =	vmand vm1, vm0  }
0x99: {  	vm0 =	vmor vm2, vm0  }
0x9a: {  	v4 =	vsel vm0, $0x3F800000, v1  }
0x9b: {  	s21 =	sadd.s32 $0x80, s21;
	[tilespmem:s18+$0x30] =	vst v4  }
0x9c: {  	s16 =	sadd.s32 $0x1, s16  }
0x9d: {  	p0 =	sne.s32 s16, $0x4  }
.Ltmp1:
0x9e: {  	s17 =	sadd.s32 s1, s17;
	(pc) =	sbr.rel @p0 .LBB2_2-.Ltmp1, $4  }
0x9f: {  	[hbm4b:s17+s10] =	stream.strided.scatter [tilespmem:s14], [sflag:$0x1], $0x8000, s11, s10, $0x38;
	[tilespmem:$0x10080] =	vst v63  }
0xa0: {  	_ =	swait.ge [sflag:s12], $0x8000  }
0xa1: {  	[sflag:s12] =	ssyncset.done $0x0  }
0xa2: {  	[sflag:s12] =	ssyncadd.s32 $0xFFFF8000  }
0xa3: {  	s15 =	sadd.s32 $0x1, s15  }
0xa4: {  	p0 =	sne.s32 s15, s9  }
.Ltmp2:
0xa5: {  	_ = 	snop;
	(pc) =	sbr.rel @p0 .LBB2_1-.Ltmp2, $1  }
0xa6: {  	_ =	sdelay $0x3  }
0xa7: {  	_ =	sfence.sel $0x180000  }
0xa8: {  	[bflag:$0x0] =	sbarrier.arrive $0xFFFF  }
0xa9: {  	p0 =	sne.s32 s3, $0x0;
	_ =	strace $0x90000047  }
0xaa: {  	s0 =	sadd.s32 @!p0 $0x100000, s0;
	[bflag:$0x2] =	sbarrier.arrive $0xFFFF  }
0xab: {  	[sflag:s0] =	ssyncadd.tile.s32 @!p0 $0x1;
	_ =	shalt  }
.Lfunc_end2:
_tile_overlayer_lowered:
.L_overlay_start_2:
0xac: {  	(tag) =	ssettag $0x2  }
0xad: {  	s0 =	rddreg [dreg:$0x0];
	s2 =	stileid.u32  }
0xae: {  	s1 =	rddreg [dreg:$0x1];
	p0 =	sne.s32 s2, $0x0  }
0xaf: {  	s3 =	rddreg [dreg:$0x2];
	[bflag:$0x3] =	sbarrier.arrive $0xFFFF;
	s2 =	simm.s32 @!p0 $0x1C01  }
0xb0: {  	[timem:s3], [sflag:s2] =	dma.local @!p0 [hbm:s0], s1  }
0xb1: {  	s0 =	simm.s32 @!p0 $0x1  }
0xb2: {  	_ =	swait.ge @!p0 [sflag:s0], s1  }
0xb3: {  	s1 =	ssub.s32 @!p0 $0x0, s1;
	[sflag:s0] =	ssyncset.done @!p0 $0x0  }
0xb4: {  	[sflag:s0] =	ssyncadd.s32 @!p0 s1  }
0xb5: {  	[bflag:$0x3] =	sbarrier.arrive $0xFFFF  }
0xb6: {  	_ =	shalt  }

</sc_bundles>
